<compile_context>
chip_gen: v7x
topology: tpu7x:2x2x1
jax: 0.10.2.dev20260603
libtpu: 0.0.44.dev20260713+nightly
codegen_flags: <defaults>
</compile_context>

<pallas_src>
import jax
import jax.numpy as jnp
from jax import lax
from jax.experimental import pallas as pl
from jax.experimental.pallas import tpu as pltpu
from jax.experimental.pallas import tpu_sc as plsc

_L = 16
_NW = 32
_N = 64 * 3 * 512 * 512
_PER_W = _N // _NW
_PLANE = 512 * 512
_CHUNK = 16384
_NCHUNK = _PER_W // _CHUNK
_DEPTH = 3
_NGROUP = _NCHUNK // _DEPTH
_CH_PER_PLANE = _PLANE // _CHUNK


def _compute_chunk(k, xbuf, obuf, lutbuf):
    chan = (k // _CH_PER_PLANE) % 3
    coff = chan.astype(jnp.float32) * 256.0 + 0.5

    @plsc.parallel_loop(0, _CHUNK, step=_L, unroll=8)
    def _(i):
        v = xbuf[pl.ds(i, _L)]
        q = (v * 255.0 + coff).astype(jnp.int32)
        obuf[pl.ds(i, _L)] = plsc.load_gather(lutbuf, [q])


def _lut_body(x_hbm, lut_hbm, out_hbm,
              xbuf0, xbuf1, xbuf2, obuf0, obuf1, obuf2, lutbuf,
              isem0, isem1, isem2, osem0, osem1, osem2):
    xbufs = (xbuf0, xbuf1, xbuf2)
    obufs = (obuf0, obuf1, obuf2)
    isems = (isem0, isem1, isem2)
    osems = (osem0, osem1, osem2)

    wid = lax.axis_index("s") * 2 + lax.axis_index("c")
    base = wid * _PER_W
    pltpu.sync_copy(lut_hbm, lutbuf)

    def xsl(k):
        return x_hbm.at[pl.ds(base + k * _CHUNK, _CHUNK)]

    def osl(k):
        return out_hbm.at[pl.ds(base + k * _CHUNK, _CHUNK)]

    for b in range(_DEPTH):
        pltpu.async_copy(xsl(b), xbufs[b], isems[b])

    def group_body(j, carry):
        for b in range(_DEPTH):
            k = j * _DEPTH + b
            pltpu.make_async_copy(xsl(k), xbufs[b], isems[b]).wait()

            @pl.when(j >= 1)
            def _():
                pltpu.make_async_copy(obufs[b], osl(k - _DEPTH),
                                      osems[b]).wait()

            _compute_chunk(k, xbufs[b], obufs[b], lutbuf)
            pltpu.async_copy(obufs[b], osl(k), osems[b])

            @pl.when(j + 1 < _NGROUP)
            def _():
                pltpu.async_copy(xsl(k + _DEPTH), xbufs[b], isems[b])
        return carry

    lax.fori_loop(0, _NGROUP, group_body, 0)

    for b in range(_DEPTH):
        pltpu.make_async_copy(obufs[b], osl(_NCHUNK - _DEPTH + b),
                              osems[b]).wait()


@jax.jit
def _lut_apply(xf, lutf):
    mesh = plsc.VectorSubcoreMesh(core_axis_name="c", subcore_axis_name="s")
    return pl.kernel(
        _lut_body,
        out_type=jax.ShapeDtypeStruct((_N,), jnp.float32),
        mesh=mesh,
        scratch_types=(
            [pltpu.VMEM((_CHUNK,), jnp.float32) for _ in range(2 * _DEPTH)]
            + [pltpu.VMEM((768,), jnp.float32)]
            + [pltpu.SemaphoreType.DMA for _ in range(2 * _DEPTH)]
        ),
        compiler_params=pltpu.CompilerParams(needs_layout_passes=False),
    )(xf, lutf)


def kernel(x, ctlut):
    lutf = (ctlut.T / 255.0).reshape(-1).astype(jnp.float32)
    out = _lut_apply(x.reshape(-1), lutf)
    return out.reshape(x.shape)

# --- scband reference (transcript-rebuilt; emitter-appended) ---
"""Pipeline reference for scband-cumulative-transform-37151467110730 (READ-ONLY COPY).

The authoritative reference and input builder live on the scoring server;
editing this copy changes nothing except your own understanding.
"""

import jax, jax.numpy as jnp
import numpy as np


def setup_inputs(seed: int = 0) -> dict:
    key = jax.random.key(seed)
    x = jax.random.uniform(key, (64, 3, 512, 512), dtype=jnp.float32)
    # identity LUT per channel (matches init_kwargs ctlut): shape [256, 3]
    ctlut = jnp.tile(jnp.arange(256, dtype=jnp.float32)[:, None], (1, 3))
    return {"x": x, "ctlut": ctlut}


def reference(x, ctlut):
    # untransform=True: quantize float image in [0,1] to uint8 indices
    xb = jnp.clip(jnp.round(x * 255.0), 0, 255).astype(jnp.int32)
    num_channels = ctlut.shape[-1]
    chans = []
    for c in range(num_channels):
        img_c = xb[:, c, ...]
        mapped = jnp.take(ctlut[:, c], img_c.reshape(-1), axis=0).reshape(img_c.shape)
        chans.append(mapped)
    r = jnp.stack(chans, axis=1)
    # untransform=True: back to float in [0,1]
    r = r.astype(jnp.float32) / 255.0
    return r

if __name__ == "__main__":
    import jax
    _d = setup_inputs()
    print(jax.jit(kernel)(*tuple(_d.values())))

</pallas_src>

<mosaic_0001>
#map = affine_map<(d0, d1) -> (0)>
module attributes {stable_mosaic.version = 14 : i64} {
  func.func @_lut_body(%arg0: i32, %arg1: i32, %arg2: memref<50331648xf32, #tpu.memory_space<hbm>>, %arg3: memref<768xf32, #tpu.memory_space<hbm>>, %arg4: memref<50331648xf32, #tpu.memory_space<hbm>>, %arg5: memref<16384xf32, #tpu.memory_space<vmem>>, %arg6: memref<16384xf32, #tpu.memory_space<vmem>>, %arg7: memref<16384xf32, #tpu.memory_space<vmem>>, %arg8: memref<16384xf32, #tpu.memory_space<vmem>>, %arg9: memref<16384xf32, #tpu.memory_space<vmem>>, %arg10: memref<16384xf32, #tpu.memory_space<vmem>>, %arg11: memref<768xf32, #tpu.memory_space<vmem>>, %arg12: memref<!tpu.dma_semaphore, #tpu.memory_space<semaphore_mem>>, %arg13: memref<!tpu.dma_semaphore, #tpu.memory_space<semaphore_mem>>, %arg14: memref<!tpu.dma_semaphore, #tpu.memory_space<semaphore_mem>>, %arg15: memref<!tpu.dma_semaphore, #tpu.memory_space<semaphore_mem>>, %arg16: memref<!tpu.dma_semaphore, #tpu.memory_space<semaphore_mem>>, %arg17: memref<!tpu.dma_semaphore, #tpu.memory_space<semaphore_mem>>) attributes {dimension_semantics = [#tpu.dimension_semantics<core_parallel>, #tpu.dimension_semantics<subcore_parallel>], iteration_bounds = array<i64: 2, 16>, scalar_prefetch = 0 : i64, scratch_operands = 13 : i64, tpu.core_type = #tpu.core_type<sc_vector_subcore>, window_params = [{transform_indices = #map}, {transform_indices = #map}, {transform_indices = #map}]} {
    %mul3A = arith.constant 2 : i32
    %mul3A_0 = arith.muli %arg1, %mul3A : i32
    %add3A = arith.addi %mul3A_0, %arg0 : i32
    %mul3A_1 = arith.constant 1572864 : i32
    %mul3A_2 = arith.muli %add3A, %mul3A_1 : i32
    "tpu.region"() ({
      %run_scoped3A = tpu.sem_alloc : memref<!tpu.dma_semaphore, #tpu.memory_space<semaphore_mem>>
      tpu.enqueue_dma source(%arg3 : memref<768xf32, #tpu.memory_space<hbm>>) target(%arg11 : memref<768xf32, #tpu.memory_space<vmem>>) target_semaphore(%run_scoped3A : memref<!tpu.dma_semaphore, #tpu.memory_space<semaphore_mem>>)
      tpu.wait_dma2 semaphore(%run_scoped3A : memref<!tpu.dma_semaphore, #tpu.memory_space<semaphore_mem>>) src(%arg3 : memref<768xf32, #tpu.memory_space<hbm>>) dst(%arg11 : memref<768xf32, #tpu.memory_space<vmem>>)
      tpu.yield
    }) : () -> ()
    %add3A_3 = arith.constant 0 : i32
    %add3A_4 = arith.addi %mul3A_2, %add3A_3 : i32
    %dma_start3A = tpu.memref_slice %arg2[%add3A_4] : memref<50331648xf32, #tpu.memory_space<hbm>> -> memref<16384xf32, #tpu.memory_space<hbm>>
    %dma_start3A_5 = tpu.memref_slice %arg2[%add3A_4] : memref<50331648xf32, #tpu.memory_space<hbm>> -> memref<16384xf32, #tpu.memory_space<hbm>>
    tpu.enqueue_dma source(%dma_start3A_5 : memref<16384xf32, #tpu.memory_space<hbm>>) target(%arg5 : memref<16384xf32, #tpu.memory_space<vmem>>) target_semaphore(%arg12 : memref<!tpu.dma_semaphore, #tpu.memory_space<semaphore_mem>>)
    %add3A_6 = arith.constant 16384 : i32
    %add3A_7 = arith.addi %mul3A_2, %add3A_6 : i32
    %dma_start3A_8 = tpu.memref_slice %arg2[%add3A_7] : memref<50331648xf32, #tpu.memory_space<hbm>> -> memref<16384xf32, #tpu.memory_space<hbm>>
    %dma_start3A_9 = tpu.memref_slice %arg2[%add3A_7] : memref<50331648xf32, #tpu.memory_space<hbm>> -> memref<16384xf32, #tpu.memory_space<hbm>>
    tpu.enqueue_dma source(%dma_start3A_9 : memref<16384xf32, #tpu.memory_space<hbm>>) target(%arg6 : memref<16384xf32, #tpu.memory_space<vmem>>) target_semaphore(%arg13 : memref<!tpu.dma_semaphore, #tpu.memory_space<semaphore_mem>>)
    %add3A_10 = arith.constant 32768 : i32
    %add3A_11 = arith.addi %mul3A_2, %add3A_10 : i32
    %dma_start3A_12 = tpu.memref_slice %arg2[%add3A_11] : memref<50331648xf32, #tpu.memory_space<hbm>> -> memref<16384xf32, #tpu.memory_space<hbm>>
    %dma_start3A_13 = tpu.memref_slice %arg2[%add3A_11] : memref<50331648xf32, #tpu.memory_space<hbm>> -> memref<16384xf32, #tpu.memory_space<hbm>>
    tpu.enqueue_dma source(%dma_start3A_13 : memref<16384xf32, #tpu.memory_space<hbm>>) target(%arg7 : memref<16384xf32, #tpu.memory_space<vmem>>) target_semaphore(%arg14 : memref<!tpu.dma_semaphore, #tpu.memory_space<semaphore_mem>>)
    %scan3A = arith.constant 0 : i32
    %scan3A_14 = arith.constant 0 : i32
    %scan3A_15 = arith.constant 32 : i32
    %scan3A_16 = arith.addi %scan3A_14, %scan3A_15 : i32
    %scan3A_17 = arith.constant 1 : i32
    scf.for %scan3A_30 = %scan3A_14 to %scan3A_16 step %scan3A_17  : i32 {
      %mul3A_31 = arith.constant 3 : i32
      %mul3A_32 = arith.muli %scan3A_30, %mul3A_31 : i32
      %add3A_33 = arith.constant 0 : i32
      %add3A_34 = arith.addi %mul3A_32, %add3A_33 : i32
      %mul3A_35 = arith.constant 16384 : i32
      %mul3A_36 = arith.muli %add3A_34, %mul3A_35 : i32
      %add3A_37 = arith.addi %mul3A_2, %mul3A_36 : i32
      %dma_wait3A_38 = tpu.memref_slice %arg2[%add3A_37] : memref<50331648xf32, #tpu.memory_space<hbm>> -> memref<16384xf32, #tpu.memory_space<hbm>>
      %dma_wait3A_39 = tpu.memref_slice %arg2[%add3A_37] : memref<50331648xf32, #tpu.memory_space<hbm>> -> memref<16384xf32, #tpu.memory_space<hbm>>
      tpu.wait_dma2 semaphore(%arg12 : memref<!tpu.dma_semaphore, #tpu.memory_space<semaphore_mem>>) src(%dma_wait3A_39 : memref<16384xf32, #tpu.memory_space<hbm>>) dst(%arg5 : memref<16384xf32, #tpu.memory_space<vmem>>)
      %ge3A = arith.constant 1 : i32
      %ge3A_40 = arith.cmpi sge, %scan3A_30, %ge3A : i32
      %convert_element_type3A = arith.extui %ge3A_40 : i1 to i32
      %cond3A = arith.constant 0 : i32
      %cond3A_41 = arith.cmpi ne, %convert_element_type3A, %cond3A : i32
      scf.if %cond3A_41 {
        %sub3A_239 = arith.constant 3 : i32
        %sub3A_240 = arith.subi %add3A_34, %sub3A_239 : i32
        %mul3A_241 = arith.constant 16384 : i32
        %mul3A_242 = arith.muli %sub3A_240, %mul3A_241 : i32
        %add3A_243 = arith.addi %mul3A_2, %mul3A_242 : i32
        %dma_wait3A_244 = tpu.memref_slice %arg4[%add3A_243] : memref<50331648xf32, #tpu.memory_space<hbm>> -> memref<16384xf32, #tpu.memory_space<hbm>>
        %dma_wait3A_245 = tpu.memref_slice %arg4[%add3A_243] : memref<50331648xf32, #tpu.memory_space<hbm>> -> memref<16384xf32, #tpu.memory_space<hbm>>
        tpu.wait_dma2 semaphore(%arg15 : memref<!tpu.dma_semaphore, #tpu.memory_space<semaphore_mem>>) src(%arg8 : memref<16384xf32, #tpu.memory_space<vmem>>) dst(%dma_wait3A_245 : memref<16384xf32, #tpu.memory_space<hbm>>)
      } else {
      }
      %jit3A = arith.constant 16 : i32
      %div3A = arith.divsi %add3A_34, %jit3A : i32
      %sign3A = arith.constant 0 : i32
      %sign3A_42 = arith.cmpi sgt, %add3A_34, %sign3A : i32
      %sign3A_43 = arith.extui %sign3A_42 : i1 to i32
      %sign3A_44 = arith.constant 0 : i32
      %sign3A_45 = arith.cmpi slt, %add3A_34, %sign3A_44 : i32
      %sign3A_46 = arith.extui %sign3A_45 : i1 to i32
      %sign3A_47 = arith.subi %sign3A_43, %sign3A_46 : i32
      %sign3A_48 = arith.constant 0 : i32
      %sign3A_49 = arith.cmpi sgt, %jit3A, %sign3A_48 : i32
      %sign3A_50 = arith.extui %sign3A_49 : i1 to i32
      %sign3A_51 = arith.constant 0 : i32
      %sign3A_52 = arith.cmpi slt, %jit3A, %sign3A_51 : i32
      %sign3A_53 = arith.extui %sign3A_52 : i1 to i32
      %sign3A_54 = arith.subi %sign3A_50, %sign3A_53 : i32
      %ne3A = arith.cmpi ne, %sign3A_47, %sign3A_54 : i32
      %rem3A = arith.remsi %add3A_34, %jit3A : i32
      %ne3A_55 = arith.constant 0 : i32
      %ne3A_56 = arith.cmpi ne, %rem3A, %ne3A_55 : i32
      %and3A = arith.andi %ne3A, %ne3A_56 : i1
      %sub3A = arith.constant 1 : i32
      %sub3A_57 = arith.subi %div3A, %sub3A : i32
      %select_n3A = arith.select %and3A, %sub3A_57, %div3A : i32
      %jit3A_58 = arith.constant 3 : i32
      %eq3A = arith.constant 0 : i32
      %eq3A_59 = arith.cmpi eq, %jit3A_58, %eq3A : i32
      %jit3A_60 = arith.constant 1 : i32
      %select_n3A_61 = arith.select %eq3A_59, %jit3A_60, %jit3A_58 : i32
      %rem3A_62 = arith.remsi %select_n3A, %select_n3A_61 : i32
      %ne3A_63 = arith.constant 0 : i32
      %ne3A_64 = arith.cmpi ne, %rem3A_62, %ne3A_63 : i32
      %lt3A = arith.constant 0 : i32
      %lt3A_65 = arith.cmpi slt, %rem3A_62, %lt3A : i32
      %lt3A_66 = arith.constant 0 : i32
      %lt3A_67 = arith.cmpi slt, %select_n3A_61, %lt3A_66 : i32
      %ne3A_68 = arith.xori %lt3A_65, %lt3A_67 : i1
      %and3A_69 = arith.andi %ne3A_68, %ne3A_64 : i1
      %add3A_70 = arith.addi %rem3A_62, %select_n3A_61 : i32
      %select_n3A_71 = arith.select %and3A_69, %add3A_70, %rem3A_62 : i32
      %convert_element_type3A_72 = arith.sitofp %select_n3A_71 : i32 to f32
      %mul3A_73 = arith.constant 2.560000e+02 : f32
      %mul3A_74 = arith.mulf %convert_element_type3A_72, %mul3A_73 : f32
      %add3A_75 = arith.constant 5.000000e-01 : f32
      %add3A_76 = arith.addf %mul3A_74, %add3A_75 : f32
      %parallel_loop3A = arith.constant 0 : i32
      %parallel_loop3A_77 = arith.constant 16384 : i32
      %parallel_loop3A_78 = arith.constant 16 : i32
      scf.for %parallel_loop3A_239 = %parallel_loop3A to %parallel_loop3A_77 step %parallel_loop3A_78  : i32 {
        %parallel_loop3A_240 = arith.index_cast %parallel_loop3A_239 : i32 to index
        %parallel_loop3A_241 = tpu.vector_load %arg5[%parallel_loop3A_240] {strides = array<i32>} : memref<16384xf32, #tpu.memory_space<vmem>>, vector<16xf32>,
        %parallel_loop3A_242 = arith.constant 2.550000e+02 : f32
        %parallel_loop3A_243 = vector.broadcast %parallel_loop3A_242 : f32 to vector<16xf32>
        %parallel_loop3A_244 = arith.mulf %parallel_loop3A_241, %parallel_loop3A_243 : vector<16xf32>
        %parallel_loop3A_245 = vector.broadcast %add3A_76 : f32 to vector<16xf32>
        %parallel_loop3A_246 = arith.addf %parallel_loop3A_244, %parallel_loop3A_245 : vector<16xf32>
        %parallel_loop3A_247 = arith.fptosi %parallel_loop3A_246 : vector<16xf32> to vector<16xi32>
        %parallel_loop3A_248 = tpu.vector_load_idx %arg11[%parallel_loop3A_247] : memref<768xf32, #tpu.memory_space<vmem>>[vector<16xi32>], vector<16xf32>,
        %parallel_loop3A_249 = arith.index_cast %parallel_loop3A_239 : i32 to index
        %parallel_loop3A_250 = tpu.vector_load %arg8[%parallel_loop3A_249] {strides = array<i32>} : memref<16384xf32, #tpu.memory_space<vmem>>, vector<16xf32>,
        tpu.vector_store %arg8[%parallel_loop3A_249], %parallel_loop3A_248 {strides = array<i32>} : memref<16384xf32, #tpu.memory_space<vmem>>, vector<16xf32>,
      } {sc.loop_unroll_factor = 8 : i64, sc.parallel_access}
      %mul3A_79 = arith.constant 16384 : i32
      %mul3A_80 = arith.muli %add3A_34, %mul3A_79 : i32
      %add3A_81 = arith.addi %mul3A_2, %mul3A_80 : i32
      %dma_start3A_82 = tpu.memref_slice %arg4[%add3A_81] : memref<50331648xf32, #tpu.memory_space<hbm>> -> memref<16384xf32, #tpu.memory_space<hbm>>
      %dma_start3A_83 = tpu.memref_slice %arg4[%add3A_81] : memref<50331648xf32, #tpu.memory_space<hbm>> -> memref<16384xf32, #tpu.memory_space<hbm>>
      tpu.enqueue_dma source(%arg8 : memref<16384xf32, #tpu.memory_space<vmem>>) target(%dma_start3A_83 : memref<16384xf32, #tpu.memory_space<hbm>>) target_semaphore(%arg15 : memref<!tpu.dma_semaphore, #tpu.memory_space<semaphore_mem>>)
      %add3A_84 = arith.constant 1 : i32
      %add3A_85 = arith.addi %scan3A_30, %add3A_84 : i32
      %lt3A_86 = arith.constant 32 : i32
      %lt3A_87 = arith.cmpi slt, %add3A_85, %lt3A_86 : i32
      %convert_element_type3A_88 = arith.extui %lt3A_87 : i1 to i32
      %cond3A_89 = arith.constant 0 : i32
      %cond3A_90 = arith.cmpi ne, %convert_element_type3A_88, %cond3A_89 : i32
      scf.if %cond3A_90 {
        %add3A_239 = arith.constant 3 : i32
        %add3A_240 = arith.addi %add3A_34, %add3A_239 : i32
        %mul3A_241 = arith.constant 16384 : i32
        %mul3A_242 = arith.muli %add3A_240, %mul3A_241 : i32
        %add3A_243 = arith.addi %mul3A_2, %mul3A_242 : i32
        %dma_start3A_244 = tpu.memref_slice %arg2[%add3A_243] : memref<50331648xf32, #tpu.memory_space<hbm>> -> memref<16384xf32, #tpu.memory_space<hbm>>
        %dma_start3A_245 = tpu.memref_slice %arg2[%add3A_243] : memref<50331648xf32, #tpu.memory_space<hbm>> -> memref<16384xf32, #tpu.memory_space<hbm>>
        tpu.enqueue_dma source(%dma_start3A_245 : memref<16384xf32, #tpu.memory_space<hbm>>) target(%arg5 : memref<16384xf32, #tpu.memory_space<vmem>>) target_semaphore(%arg12 : memref<!tpu.dma_semaphore, #tpu.memory_space<semaphore_mem>>)
      } else {
      }
      %mul3A_91 = arith.constant 3 : i32
      %mul3A_92 = arith.muli %scan3A_30, %mul3A_91 : i32
      %add3A_93 = arith.constant 1 : i32
      %add3A_94 = arith.addi %mul3A_92, %add3A_93 : i32
      %mul3A_95 = arith.constant 16384 : i32
      %mul3A_96 = arith.muli %add3A_94, %mul3A_95 : i32
      %add3A_97 = arith.addi %mul3A_2, %mul3A_96 : i32
      %dma_wait3A_98 = tpu.memref_slice %arg2[%add3A_97] : memref<50331648xf32, #tpu.memory_space<hbm>> -> memref<16384xf32, #tpu.memory_space<hbm>>
      %dma_wait3A_99 = tpu.memref_slice %arg2[%add3A_97] : memref<50331648xf32, #tpu.memory_space<hbm>> -> memref<16384xf32, #tpu.memory_space<hbm>>
      tpu.wait_dma2 semaphore(%arg13 : memref<!tpu.dma_semaphore, #tpu.memory_space<semaphore_mem>>) src(%dma_wait3A_99 : memref<16384xf32, #tpu.memory_space<hbm>>) dst(%arg6 : memref<16384xf32, #tpu.memory_space<vmem>>)
      %ge3A_100 = arith.constant 1 : i32
      %ge3A_101 = arith.cmpi sge, %scan3A_30, %ge3A_100 : i32
      %convert_element_type3A_102 = arith.extui %ge3A_101 : i1 to i32
      %cond3A_103 = arith.constant 0 : i32
      %cond3A_104 = arith.cmpi ne, %convert_element_type3A_102, %cond3A_103 : i32
      scf.if %cond3A_104 {
        %sub3A_239 = arith.constant 3 : i32
        %sub3A_240 = arith.subi %add3A_94, %sub3A_239 : i32
        %mul3A_241 = arith.constant 16384 : i32
        %mul3A_242 = arith.muli %sub3A_240, %mul3A_241 : i32
        %add3A_243 = arith.addi %mul3A_2, %mul3A_242 : i32
        %dma_wait3A_244 = tpu.memref_slice %arg4[%add3A_243] : memref<50331648xf32, #tpu.memory_space<hbm>> -> memref<16384xf32, #tpu.memory_space<hbm>>
        %dma_wait3A_245 = tpu.memref_slice %arg4[%add3A_243] : memref<50331648xf32, #tpu.memory_space<hbm>> -> memref<16384xf32, #tpu.memory_space<hbm>>
        tpu.wait_dma2 semaphore(%arg16 : memref<!tpu.dma_semaphore, #tpu.memory_space<semaphore_mem>>) src(%arg9 : memref<16384xf32, #tpu.memory_space<vmem>>) dst(%dma_wait3A_245 : memref<16384xf32, #tpu.memory_space<hbm>>)
      } else {
      }
      %jit3A_105 = arith.constant 16 : i32
      %div3A_106 = arith.divsi %add3A_94, %jit3A_105 : i32
      %sign3A_107 = arith.constant 0 : i32
      %sign3A_108 = arith.cmpi sgt, %add3A_94, %sign3A_107 : i32
      %sign3A_109 = arith.extui %sign3A_108 : i1 to i32
      %sign3A_110 = arith.constant 0 : i32
      %sign3A_111 = arith.cmpi slt, %add3A_94, %sign3A_110 : i32
      %sign3A_112 = arith.extui %sign3A_111 : i1 to i32
      %sign3A_113 = arith.subi %sign3A_109, %sign3A_112 : i32
      %sign3A_114 = arith.constant 0 : i32
      %sign3A_115 = arith.cmpi sgt, %jit3A_105, %sign3A_114 : i32
      %sign3A_116 = arith.extui %sign3A_115 : i1 to i32
      %sign3A_117 = arith.constant 0 : i32
      %sign3A_118 = arith.cmpi slt, %jit3A_105, %sign3A_117 : i32
      %sign3A_119 = arith.extui %sign3A_118 : i1 to i32
      %sign3A_120 = arith.subi %sign3A_116, %sign3A_119 : i32
      %ne3A_121 = arith.cmpi ne, %sign3A_113, %sign3A_120 : i32
      %rem3A_122 = arith.remsi %add3A_94, %jit3A_105 : i32
      %ne3A_123 = arith.constant 0 : i32
      %ne3A_124 = arith.cmpi ne, %rem3A_122, %ne3A_123 : i32
      %and3A_125 = arith.andi %ne3A_121, %ne3A_124 : i1
      %sub3A_126 = arith.constant 1 : i32
      %sub3A_127 = arith.subi %div3A_106, %sub3A_126 : i32
      %select_n3A_128 = arith.select %and3A_125, %sub3A_127, %div3A_106 : i32
      %jit3A_129 = arith.constant 3 : i32
      %eq3A_130 = arith.constant 0 : i32
      %eq3A_131 = arith.cmpi eq, %jit3A_129, %eq3A_130 : i32
      %jit3A_132 = arith.constant 1 : i32
      %select_n3A_133 = arith.select %eq3A_131, %jit3A_132, %jit3A_129 : i32
      %rem3A_134 = arith.remsi %select_n3A_128, %select_n3A_133 : i32
      %ne3A_135 = arith.constant 0 : i32
      %ne3A_136 = arith.cmpi ne, %rem3A_134, %ne3A_135 : i32
      %lt3A_137 = arith.constant 0 : i32
      %lt3A_138 = arith.cmpi slt, %rem3A_134, %lt3A_137 : i32
      %lt3A_139 = arith.constant 0 : i32
      %lt3A_140 = arith.cmpi slt, %select_n3A_133, %lt3A_139 : i32
      %ne3A_141 = arith.xori %lt3A_138, %lt3A_140 : i1
      %and3A_142 = arith.andi %ne3A_141, %ne3A_136 : i1
      %add3A_143 = arith.addi %rem3A_134, %select_n3A_133 : i32
      %select_n3A_144 = arith.select %and3A_142, %add3A_143, %rem3A_134 : i32
      %convert_element_type3A_145 = arith.sitofp %select_n3A_144 : i32 to f32
      %mul3A_146 = arith.constant 2.560000e+02 : f32
      %mul3A_147 = arith.mulf %convert_element_type3A_145, %mul3A_146 : f32
      %add3A_148 = arith.constant 5.000000e-01 : f32
      %add3A_149 = arith.addf %mul3A_147, %add3A_148 : f32
      %parallel_loop3A_150 = arith.constant 0 : i32
      %parallel_loop3A_151 = arith.constant 16384 : i32
      %parallel_loop3A_152 = arith.constant 16 : i32
      scf.for %parallel_loop3A_239 = %parallel_loop3A_150 to %parallel_loop3A_151 step %parallel_loop3A_152  : i32 {
        %parallel_loop3A_240 = arith.index_cast %parallel_loop3A_239 : i32 to index
        %parallel_loop3A_241 = tpu.vector_load %arg6[%parallel_loop3A_240] {strides = array<i32>} : memref<16384xf32, #tpu.memory_space<vmem>>, vector<16xf32>,
        %parallel_loop3A_242 = arith.constant 2.550000e+02 : f32
        %parallel_loop3A_243 = vector.broadcast %parallel_loop3A_242 : f32 to vector<16xf32>
        %parallel_loop3A_244 = arith.mulf %parallel_loop3A_241, %parallel_loop3A_243 : vector<16xf32>
        %parallel_loop3A_245 = vector.broadcast %add3A_149 : f32 to vector<16xf32>
        %parallel_loop3A_246 = arith.addf %parallel_loop3A_244, %parallel_loop3A_245 : vector<16xf32>
        %parallel_loop3A_247 = arith.fptosi %parallel_loop3A_246 : vector<16xf32> to vector<16xi32>
        %parallel_loop3A_248 = tpu.vector_load_idx %arg11[%parallel_loop3A_247] : memref<768xf32, #tpu.memory_space<vmem>>[vector<16xi32>], vector<16xf32>,
        %parallel_loop3A_249 = arith.index_cast %parallel_loop3A_239 : i32 to index
        %parallel_loop3A_250 = tpu.vector_load %arg9[%parallel_loop3A_249] {strides = array<i32>} : memref<16384xf32, #tpu.memory_space<vmem>>, vector<16xf32>,
        tpu.vector_store %arg9[%parallel_loop3A_249], %parallel_loop3A_248 {strides = array<i32>} : memref<16384xf32, #tpu.memory_space<vmem>>, vector<16xf32>,
      } {sc.loop_unroll_factor = 8 : i64, sc.parallel_access}
      %mul3A_153 = arith.constant 16384 : i32
      %mul3A_154 = arith.muli %add3A_94, %mul3A_153 : i32
      %add3A_155 = arith.addi %mul3A_2, %mul3A_154 : i32
      %dma_start3A_156 = tpu.memref_slice %arg4[%add3A_155] : memref<50331648xf32, #tpu.memory_space<hbm>> -> memref<16384xf32, #tpu.memory_space<hbm>>
      %dma_start3A_157 = tpu.memref_slice %arg4[%add3A_155] : memref<50331648xf32, #tpu.memory_space<hbm>> -> memref<16384xf32, #tpu.memory_space<hbm>>
      tpu.enqueue_dma source(%arg9 : memref<16384xf32, #tpu.memory_space<vmem>>) target(%dma_start3A_157 : memref<16384xf32, #tpu.memory_space<hbm>>) target_semaphore(%arg16 : memref<!tpu.dma_semaphore, #tpu.memory_space<semaphore_mem>>)
      %add3A_158 = arith.constant 1 : i32
      %add3A_159 = arith.addi %scan3A_30, %add3A_158 : i32
      %lt3A_160 = arith.constant 32 : i32
      %lt3A_161 = arith.cmpi slt, %add3A_159, %lt3A_160 : i32
      %convert_element_type3A_162 = arith.extui %lt3A_161 : i1 to i32
      %cond3A_163 = arith.constant 0 : i32
      %cond3A_164 = arith.cmpi ne, %convert_element_type3A_162, %cond3A_163 : i32
      scf.if %cond3A_164 {
        %add3A_239 = arith.constant 3 : i32
        %add3A_240 = arith.addi %add3A_94, %add3A_239 : i32
        %mul3A_241 = arith.constant 16384 : i32
        %mul3A_242 = arith.muli %add3A_240, %mul3A_241 : i32
        %add3A_243 = arith.addi %mul3A_2, %mul3A_242 : i32
        %dma_start3A_244 = tpu.memref_slice %arg2[%add3A_243] : memref<50331648xf32, #tpu.memory_space<hbm>> -> memref<16384xf32, #tpu.memory_space<hbm>>
        %dma_start3A_245 = tpu.memref_slice %arg2[%add3A_243] : memref<50331648xf32, #tpu.memory_space<hbm>> -> memref<16384xf32, #tpu.memory_space<hbm>>
        tpu.enqueue_dma source(%dma_start3A_245 : memref<16384xf32, #tpu.memory_space<hbm>>) target(%arg6 : memref<16384xf32, #tpu.memory_space<vmem>>) target_semaphore(%arg13 : memref<!tpu.dma_semaphore, #tpu.memory_space<semaphore_mem>>)
      } else {
      }
      %mul3A_165 = arith.constant 3 : i32
      %mul3A_166 = arith.muli %scan3A_30, %mul3A_165 : i32
      %add3A_167 = arith.constant 2 : i32
      %add3A_168 = arith.addi %mul3A_166, %add3A_167 : i32
      %mul3A_169 = arith.constant 16384 : i32
      %mul3A_170 = arith.muli %add3A_168, %mul3A_169 : i32
      %add3A_171 = arith.addi %mul3A_2, %mul3A_170 : i32
      %dma_wait3A_172 = tpu.memref_slice %arg2[%add3A_171] : memref<50331648xf32, #tpu.memory_space<hbm>> -> memref<16384xf32, #tpu.memory_space<hbm>>
      %dma_wait3A_173 = tpu.memref_slice %arg2[%add3A_171] : memref<50331648xf32, #tpu.memory_space<hbm>> -> memref<16384xf32, #tpu.memory_space<hbm>>
      tpu.wait_dma2 semaphore(%arg14 : memref<!tpu.dma_semaphore, #tpu.memory_space<semaphore_mem>>) src(%dma_wait3A_173 : memref<16384xf32, #tpu.memory_space<hbm>>) dst(%arg7 : memref<16384xf32, #tpu.memory_space<vmem>>)
      %ge3A_174 = arith.constant 1 : i32
      %ge3A_175 = arith.cmpi sge, %scan3A_30, %ge3A_174 : i32
      %convert_element_type3A_176 = arith.extui %ge3A_175 : i1 to i32
      %cond3A_177 = arith.constant 0 : i32
      %cond3A_178 = arith.cmpi ne, %convert_element_type3A_176, %cond3A_177 : i32
      scf.if %cond3A_178 {
        %sub3A_239 = arith.constant 3 : i32
        %sub3A_240 = arith.subi %add3A_168, %sub3A_239 : i32
        %mul3A_241 = arith.constant 16384 : i32
        %mul3A_242 = arith.muli %sub3A_240, %mul3A_241 : i32
        %add3A_243 = arith.addi %mul3A_2, %mul3A_242 : i32
        %dma_wait3A_244 = tpu.memref_slice %arg4[%add3A_243] : memref<50331648xf32, #tpu.memory_space<hbm>> -> memref<16384xf32, #tpu.memory_space<hbm>>
        %dma_wait3A_245 = tpu.memref_slice %arg4[%add3A_243] : memref<50331648xf32, #tpu.memory_space<hbm>> -> memref<16384xf32, #tpu.memory_space<hbm>>
        tpu.wait_dma2 semaphore(%arg17 : memref<!tpu.dma_semaphore, #tpu.memory_space<semaphore_mem>>) src(%arg10 : memref<16384xf32, #tpu.memory_space<vmem>>) dst(%dma_wait3A_245 : memref<16384xf32, #tpu.memory_space<hbm>>)
      } else {
      }
      %jit3A_179 = arith.constant 16 : i32
      %div3A_180 = arith.divsi %add3A_168, %jit3A_179 : i32
      %sign3A_181 = arith.constant 0 : i32
      %sign3A_182 = arith.cmpi sgt, %add3A_168, %sign3A_181 : i32
      %sign3A_183 = arith.extui %sign3A_182 : i1 to i32
      %sign3A_184 = arith.constant 0 : i32
      %sign3A_185 = arith.cmpi slt, %add3A_168, %sign3A_184 : i32
      %sign3A_186 = arith.extui %sign3A_185 : i1 to i32
      %sign3A_187 = arith.subi %sign3A_183, %sign3A_186 : i32
      %sign3A_188 = arith.constant 0 : i32
      %sign3A_189 = arith.cmpi sgt, %jit3A_179, %sign3A_188 : i32
      %sign3A_190 = arith.extui %sign3A_189 : i1 to i32
      %sign3A_191 = arith.constant 0 : i32
      %sign3A_192 = arith.cmpi slt, %jit3A_179, %sign3A_191 : i32
      %sign3A_193 = arith.extui %sign3A_192 : i1 to i32
      %sign3A_194 = arith.subi %sign3A_190, %sign3A_193 : i32
      %ne3A_195 = arith.cmpi ne, %sign3A_187, %sign3A_194 : i32
      %rem3A_196 = arith.remsi %add3A_168, %jit3A_179 : i32
      %ne3A_197 = arith.constant 0 : i32
      %ne3A_198 = arith.cmpi ne, %rem3A_196, %ne3A_197 : i32
      %and3A_199 = arith.andi %ne3A_195, %ne3A_198 : i1
      %sub3A_200 = arith.constant 1 : i32
      %sub3A_201 = arith.subi %div3A_180, %sub3A_200 : i32
      %select_n3A_202 = arith.select %and3A_199, %sub3A_201, %div3A_180 : i32
      %jit3A_203 = arith.constant 3 : i32
      %eq3A_204 = arith.constant 0 : i32
      %eq3A_205 = arith.cmpi eq, %jit3A_203, %eq3A_204 : i32
      %jit3A_206 = arith.constant 1 : i32
      %select_n3A_207 = arith.select %eq3A_205, %jit3A_206, %jit3A_203 : i32
      %rem3A_208 = arith.remsi %select_n3A_202, %select_n3A_207 : i32
      %ne3A_209 = arith.constant 0 : i32
      %ne3A_210 = arith.cmpi ne, %rem3A_208, %ne3A_209 : i32
      %lt3A_211 = arith.constant 0 : i32
      %lt3A_212 = arith.cmpi slt, %rem3A_208, %lt3A_211 : i32
      %lt3A_213 = arith.constant 0 : i32
      %lt3A_214 = arith.cmpi slt, %select_n3A_207, %lt3A_213 : i32
      %ne3A_215 = arith.xori %lt3A_212, %lt3A_214 : i1
      %and3A_216 = arith.andi %ne3A_215, %ne3A_210 : i1
      %add3A_217 = arith.addi %rem3A_208, %select_n3A_207 : i32
      %select_n3A_218 = arith.select %and3A_216, %add3A_217, %rem3A_208 : i32
      %convert_element_type3A_219 = arith.sitofp %select_n3A_218 : i32 to f32
      %mul3A_220 = arith.constant 2.560000e+02 : f32
      %mul3A_221 = arith.mulf %convert_element_type3A_219, %mul3A_220 : f32
      %add3A_222 = arith.constant 5.000000e-01 : f32
      %add3A_223 = arith.addf %mul3A_221, %add3A_222 : f32
      %parallel_loop3A_224 = arith.constant 0 : i32
      %parallel_loop3A_225 = arith.constant 16384 : i32
      %parallel_loop3A_226 = arith.constant 16 : i32
      scf.for %parallel_loop3A_239 = %parallel_loop3A_224 to %parallel_loop3A_225 step %parallel_loop3A_226  : i32 {
        %parallel_loop3A_240 = arith.index_cast %parallel_loop3A_239 : i32 to index
        %parallel_loop3A_241 = tpu.vector_load %arg7[%parallel_loop3A_240] {strides = array<i32>} : memref<16384xf32, #tpu.memory_space<vmem>>, vector<16xf32>,
        %parallel_loop3A_242 = arith.constant 2.550000e+02 : f32
        %parallel_loop3A_243 = vector.broadcast %parallel_loop3A_242 : f32 to vector<16xf32>
        %parallel_loop3A_244 = arith.mulf %parallel_loop3A_241, %parallel_loop3A_243 : vector<16xf32>
        %parallel_loop3A_245 = vector.broadcast %add3A_223 : f32 to vector<16xf32>
        %parallel_loop3A_246 = arith.addf %parallel_loop3A_244, %parallel_loop3A_245 : vector<16xf32>
        %parallel_loop3A_247 = arith.fptosi %parallel_loop3A_246 : vector<16xf32> to vector<16xi32>
        %parallel_loop3A_248 = tpu.vector_load_idx %arg11[%parallel_loop3A_247] : memref<768xf32, #tpu.memory_space<vmem>>[vector<16xi32>], vector<16xf32>,
        %parallel_loop3A_249 = arith.index_cast %parallel_loop3A_239 : i32 to index
        %parallel_loop3A_250 = tpu.vector_load %arg10[%parallel_loop3A_249] {strides = array<i32>} : memref<16384xf32, #tpu.memory_space<vmem>>, vector<16xf32>,
        tpu.vector_store %arg10[%parallel_loop3A_249], %parallel_loop3A_248 {strides = array<i32>} : memref<16384xf32, #tpu.memory_space<vmem>>, vector<16xf32>,
      } {sc.loop_unroll_factor = 8 : i64, sc.parallel_access}
      %mul3A_227 = arith.constant 16384 : i32
      %mul3A_228 = arith.muli %add3A_168, %mul3A_227 : i32
      %add3A_229 = arith.addi %mul3A_2, %mul3A_228 : i32
      %dma_start3A_230 = tpu.memref_slice %arg4[%add3A_229] : memref<50331648xf32, #tpu.memory_space<hbm>> -> memref<16384xf32, #tpu.memory_space<hbm>>
      %dma_start3A_231 = tpu.memref_slice %arg4[%add3A_229] : memref<50331648xf32, #tpu.memory_space<hbm>> -> memref<16384xf32, #tpu.memory_space<hbm>>
      tpu.enqueue_dma source(%arg10 : memref<16384xf32, #tpu.memory_space<vmem>>) target(%dma_start3A_231 : memref<16384xf32, #tpu.memory_space<hbm>>) target_semaphore(%arg17 : memref<!tpu.dma_semaphore, #tpu.memory_space<semaphore_mem>>)
      %add3A_232 = arith.constant 1 : i32
      %add3A_233 = arith.addi %scan3A_30, %add3A_232 : i32
      %lt3A_234 = arith.constant 32 : i32
      %lt3A_235 = arith.cmpi slt, %add3A_233, %lt3A_234 : i32
      %convert_element_type3A_236 = arith.extui %lt3A_235 : i1 to i32
      %cond3A_237 = arith.constant 0 : i32
      %cond3A_238 = arith.cmpi ne, %convert_element_type3A_236, %cond3A_237 : i32
      scf.if %cond3A_238 {
        %add3A_239 = arith.constant 3 : i32
        %add3A_240 = arith.addi %add3A_168, %add3A_239 : i32
        %mul3A_241 = arith.constant 16384 : i32
        %mul3A_242 = arith.muli %add3A_240, %mul3A_241 : i32
        %add3A_243 = arith.addi %mul3A_2, %mul3A_242 : i32
        %dma_start3A_244 = tpu.memref_slice %arg2[%add3A_243] : memref<50331648xf32, #tpu.memory_space<hbm>> -> memref<16384xf32, #tpu.memory_space<hbm>>
        %dma_start3A_245 = tpu.memref_slice %arg2[%add3A_243] : memref<50331648xf32, #tpu.memory_space<hbm>> -> memref<16384xf32, #tpu.memory_space<hbm>>
        tpu.enqueue_dma source(%dma_start3A_245 : memref<16384xf32, #tpu.memory_space<hbm>>) target(%arg7 : memref<16384xf32, #tpu.memory_space<vmem>>) target_semaphore(%arg14 : memref<!tpu.dma_semaphore, #tpu.memory_space<semaphore_mem>>)
      } else {
      }
    }
    %scan3A_18 = arith.constant 32 : i32
    %add3A_19 = arith.constant 1523712 : i32
    %add3A_20 = arith.addi %mul3A_2, %add3A_19 : i32
    %dma_wait3A = tpu.memref_slice %arg4[%add3A_20] : memref<50331648xf32, #tpu.memory_space<hbm>> -> memref<16384xf32, #tpu.memory_space<hbm>>
    %dma_wait3A_21 = tpu.memref_slice %arg4[%add3A_20] : memref<50331648xf32, #tpu.memory_space<hbm>> -> memref<16384xf32, #tpu.memory_space<hbm>>
    tpu.wait_dma2 semaphore(%arg15 : memref<!tpu.dma_semaphore, #tpu.memory_space<semaphore_mem>>) src(%arg8 : memref<16384xf32, #tpu.memory_space<vmem>>) dst(%dma_wait3A_21 : memref<16384xf32, #tpu.memory_space<hbm>>)
    %add3A_22 = arith.constant 1540096 : i32
    %add3A_23 = arith.addi %mul3A_2, %add3A_22 : i32
    %dma_wait3A_24 = tpu.memref_slice %arg4[%add3A_23] : memref<50331648xf32, #tpu.memory_space<hbm>> -> memref<16384xf32, #tpu.memory_space<hbm>>
    %dma_wait3A_25 = tpu.memref_slice %arg4[%add3A_23] : memref<50331648xf32, #tpu.memory_space<hbm>> -> memref<16384xf32, #tpu.memory_space<hbm>>
    tpu.wait_dma2 semaphore(%arg16 : memref<!tpu.dma_semaphore, #tpu.memory_space<semaphore_mem>>) src(%arg9 : memref<16384xf32, #tpu.memory_space<vmem>>) dst(%dma_wait3A_25 : memref<16384xf32, #tpu.memory_space<hbm>>)
    %add3A_26 = arith.constant 1556480 : i32
    %add3A_27 = arith.addi %mul3A_2, %add3A_26 : i32
    %dma_wait3A_28 = tpu.memref_slice %arg4[%add3A_27] : memref<50331648xf32, #tpu.memory_space<hbm>> -> memref<16384xf32, #tpu.memory_space<hbm>>
    %dma_wait3A_29 = tpu.memref_slice %arg4[%add3A_27] : memref<50331648xf32, #tpu.memory_space<hbm>> -> memref<16384xf32, #tpu.memory_space<hbm>>
    tpu.wait_dma2 semaphore(%arg17 : memref<!tpu.dma_semaphore, #tpu.memory_space<semaphore_mem>>) src(%arg10 : memref<16384xf32, #tpu.memory_space<vmem>>) dst(%dma_wait3A_29 : memref<16384xf32, #tpu.memory_space<hbm>>)
    return
  }
}

</mosaic_0001>

<sc_bundles>
// kernel: _lut_apply.3.cloned.1.call-start
scs
__scs_entry_jumppad:
0x0: {  	(pc) =	sbr.rel $0x88, $3  }
0x1: {  	(tag) =	ssettag $0x0;
	lr =	simm.s32 $0x1  }
0x2: {  	[smem:$0x3F9F] =	sst lr;
	_ =	strace $0xD0000000  }
0x3: {  	_ = 	snop  }
0x4: {  	_ = 	snop  }
0x5: {  	_ = 	snop  }
0x6: {  	_ = 	snop  }
0x7: {  	_ = 	snop  }
__scs_overlays_trampoline_lowered:
0x8: {  	[smem:$0x3FAE] =	sst s0  }
0x9: {  	[smem:$0x3FAF] =	sst s1  }
0xa: {  	[smem:$0x3FB0] =	sst s2  }
0xb: {  	[smem:$0x3FB1] =	sst s3  }
0xc: {  	[smem:$0x3FB2] =	sst s4  }
0xd: {  	[smem:$0x3FB3] =	sst s5  }
0xe: {  	[smem:$0x3FB4] =	sst s6  }
0xf: {  	[smem:$0x3FB5] =	sst s7  }
0x10: {  	[smem:$0x3FB6] =	sst s8  }
0x11: {  	[smem:$0x3FB7] =	sst s9;
	s0 =	simm.s32 @!p0 $0x0  }
0x12: {  	s1 =	sld [smem:$0x3F9D];
	s0 =	simm.s32 @p0 $0x1  }
0x13: {  	[smem:$0x3FB8] =	sst s0;
	s0 =	simm.s32 @!p1 $0x0  }
0x14: {  	s2 =	sld [smem:$0x3F9C];
	s0 =	simm.s32 @p1 $0x1  }
0x15: {  	[smem:$0x3FB9] =	sst s0;
	s0 =	simm.s32 @!p2 $0x0  }
0x16: {  	s3 =	sld [smem:$0x3FDB];
	s0 =	simm.s32 @p2 $0x1  }
0x17: {  	s4 =	simm.s32 $0x1BF5;
	[smem:$0x3FBB] =	sst s0  }
0x18: {  	s0 =	sld [smem:$0x3F9E];
	_ =	swait.ge [sflag:s4], $0x0  }
0x19: {  	s7 =	sld [smem:$0x3F9F]  }
0x1a: {  	s8 =	sadd.s32 $0xFFFFE003, lr  }
0x1b: {  	s9 =	sadd.s32 $0xFFFFFEF7, lr;
	s5 =	simm.s32 $0xFFFFFFFF;
	p2 =	slt.u32 s8, $0xFFFFF086  }
0x1c: {  	p1 =	slt.u32 s9, $0xF7A;
	s5 =	simm.s32 @!p2 $0x0  }
0x1d: {  	s5 =	simm.s32 @p1 $0x1;
	p0 =	seq.s32 s7, s2  }
0x1e: {  	s7 =	smul.u32 @!p0 $0xF7A, s2;
	p2 =	seq.s32 @!p0 s5, $0x0  }
0x1f: {  	s9 =	smul.u32 $0xF7A, s1;
	s8 =	simm.s32 @!p0 $0x1BF5;
	p2 =	por !p2, p0  }
0x20: {  	[sflag:s8] =	ssyncset.s32 @!p0 $0xFFFFF086;
	s6 =	sadd.s32 @!p0 s3, s7;
	s7 =	simm.s32 @!p0 $0x108  }
0x21: {  	s3 =	sadd.s32 s3, s9;
	s6 =	sadd.s32 @!p0 $0x88, s6;
	s7 =	simm.s32 @p2 $0x1082  }
0x22: {  	[simem:s7], [sflag:s8] =	dma.local @!p0 [hbm:s6], $0xF7A  }
0x23: {  	s9 =	sor.u32 $0xD0000000, s2;
	s6 =	simm.s32 $0x108;
	_ =	swait.ge @!p0 [sflag:s8], $0x0  }
0x24: {  	s3 =	sadd.s32 $0x88, s3;
	s6 =	simm.s32 @!p1 $0x1082;
	[sflag:s4] =	ssyncset.s32 $0xFFFFF086  }
0x25: {  	[simem:s6], [sflag:s4] =	dma.local [hbm:s3], $0xF7A  }
0x26: {  	[smem:$0x3F9F] =	sst s1;
	(tag) =	ssettag s2;
	_ =	strace s9  }
0x27: {  	s1 =	sld [smem:$0x3FAF]  }
0x28: {  	s2 =	sld [smem:$0x3FB0]  }
0x29: {  	s4 =	sld [smem:$0x3FB2]  }
0x2a: {  	p0 =	seq.s32 s5, $0x0;
	s5 =	sld [smem:$0x3FB3]  }
0x2b: {  	s6 =	sld [smem:$0x3FB4]  }
0x2c: {  	s7 =	sld [smem:$0x3FB5]  }
0x2d: {  	s3 =	simm.s32 $0x108;
	s8 =	sld [smem:$0x3FB6]  }
0x2e: {  	s3 =	simm.s32 @!p0 $0x1082;
	s9 =	sld [smem:$0x3FB7]  }
0x2f: {  	lr =	sadd.s32 s0, s3;
	s0 =	sld [smem:$0x3FAE]  }
0x30: {  	s3 =	sld [smem:$0x3FB1]  }
0x31: {  	[smem:$0x3FBA] =	sst s10  }
0x32: {  	s10 =	sld [smem:$0x3FB8];
	_ =	sdelay $0x3  }
0x33: {  	p0 =	seq.s32 s10, $0x1;
	s10 =	sld [smem:$0x3FBA];
	_ =	sdelay $0x3  }
0x34: {  	[smem:$0x3FBA] =	sst s10  }
0x35: {  	s10 =	sld [smem:$0x3FB9];
	_ =	sdelay $0x3  }
0x36: {  	p1 =	seq.s32 s10, $0x1;
	s10 =	sld [smem:$0x3FBA];
	_ =	sdelay $0x3  }
0x37: {  	[smem:$0x3FBA] =	sst s10  }
0x38: {  	s10 =	sld [smem:$0x3FBB]  }
0x39: {  	_ = 	snop;
	(pc) =	sbr.ind lr, $3  }
0x3a: {  	_ = 	snop  }
0x3b: {  	_ = 	snop  }
0x3c: {  	p2 =	seq.s32 s10, $0x1;
	s10 =	sld [smem:$0x3FBA]  }
0x3d: {  	_ =	shalt  }
0x3e: {  	_ =	shalt  }
0x3f: {  	_ =	shalt  }
0x40: {  	_ =	shalt  }
0x41: {  	_ =	shalt  }
0x42: {  	_ =	shalt  }
0x43: {  	_ =	shalt  }
0x44: {  	_ =	shalt  }
0x45: {  	_ =	shalt  }
0x46: {  	_ =	shalt  }
0x47: {  	_ =	shalt  }
0x48: {  	_ =	shalt  }
0x49: {  	_ =	shalt  }
0x4a: {  	_ =	shalt  }
0x4b: {  	_ =	shalt  }
0x4c: {  	_ =	shalt  }
0x4d: {  	_ =	shalt  }
0x4e: {  	_ =	shalt  }
0x4f: {  	_ =	shalt  }
0x50: {  	_ =	shalt  }
0x51: {  	_ =	shalt  }
0x52: {  	_ =	shalt  }
0x53: {  	_ =	shalt  }
0x54: {  	_ =	shalt  }
0x55: {  	_ =	shalt  }
0x56: {  	_ =	shalt  }
0x57: {  	_ =	shalt  }
0x58: {  	_ =	shalt  }
0x59: {  	_ =	shalt  }
0x5a: {  	_ =	shalt  }
0x5b: {  	_ =	shalt  }
0x5c: {  	_ =	shalt  }
0x5d: {  	_ =	shalt  }
0x5e: {  	_ =	shalt  }
0x5f: {  	_ =	shalt  }
0x60: {  	_ =	shalt  }
0x61: {  	_ =	shalt  }
0x62: {  	_ =	shalt  }
0x63: {  	_ =	shalt  }
0x64: {  	_ =	shalt  }
0x65: {  	_ =	shalt  }
0x66: {  	_ =	shalt  }
0x67: {  	_ =	shalt  }
0x68: {  	_ =	shalt  }
0x69: {  	_ =	shalt  }
0x6a: {  	_ =	shalt  }
0x6b: {  	_ =	shalt  }
0x6c: {  	_ =	shalt  }
0x6d: {  	_ =	shalt  }
0x6e: {  	_ =	shalt  }
0x6f: {  	_ =	shalt  }
0x70: {  	_ =	shalt  }
0x71: {  	_ =	shalt  }
0x72: {  	_ =	shalt  }
0x73: {  	_ =	shalt  }
0x74: {  	_ =	shalt  }
0x75: {  	_ =	shalt  }
0x76: {  	_ =	shalt  }
0x77: {  	_ =	shalt  }
0x78: {  	_ =	shalt  }
0x79: {  	_ =	shalt  }
0x7a: {  	_ =	shalt  }
0x7b: {  	_ =	shalt  }
0x7c: {  	_ =	shalt  }
0x7d: {  	_ =	shalt  }
0x7e: {  	_ =	shalt  }
0x7f: {  	_ =	shalt  }
0x80: {  	_ =	shalt  }
0x81: {  	_ =	shalt  }
0x82: {  	_ =	shalt  }
0x83: {  	_ =	shalt  }
0x84: {  	_ =	shalt  }
0x85: {  	_ =	shalt  }
0x86: {  	_ =	shalt  }
0x87: {  	_ =	shalt  }
.Lfunc_end0:
.L_simem_size_0:
called_computation_lowered:
.L_overlay_start_0:
0x88: {  	s2 =	sld [smem:$0x3FD9]  }
0x89: {  	s3 =	sld [smem:$0x3FFE];
	_ =	sdelay $0x1  }
0x8a: {  	s1 =	srdreg.scid  }
0x8b: {  	s0 =	sand.u32 $0x1, s1  }
0x8c: {  	s18 =	sshll.u32 s0, $0xA;
	s2 =	sadd.s32 s3, s2  }
0x8d: {  	s2 =	sadd.s32 s2, s18  }
0x8e: {  	[smem:$0x3FC6] =	sst s2  }
0x8f: {  	_ = 	snop  }
0x90: {  	s2 =	sld [smem:$0x3FC9]  }
0x91: {  	s19 =	sld [smem:$0x3FC8]  }
0x92: {  	s4 =	sld [smem:$0x3FD0];
	(tm) =	ssettm $0x1  }
0x93: {  	s5 =	sld [smem:$0x3FFB];
	_ =	sdelay $0x3  }
0x94: {  	_ =	strace s5  }
0x95: {  	s5 =	sld [smem:$0x3FFC];
	_ =	sdelay $0x3  }
0x96: {  	_ =	strace s5  }
0x97: {  	s5 =	sld [smem:$0x3FFD];
	_ =	sdelay $0x3  }
0x98: {  	_ =	strace s5  }
0x99: {  	_ =	strace $0x8FFFFFFF  }
0x9a: {  	s20 =	sld [smem:$0x3FDB];
	_ =	sdelay $0x1  }
0x9b: {  	s6 =	simm.s32 $_scs_section_size  }
0x9c: {  	s7 =	simm.s32 $_size__tile_overlayer_lowered;
	s8 =	simm.s32 $_tile_overlayer_lowered  }
0x9d: {  	s23 =	simm.s32 $0x1BFF;
	s22 =	sshll.u32 s8, $0x1;
	s5 =	sadd.s32 s6, s20  }
0x9e: {  	s9 =	simm.s32 $0x0;
	s21 =	sshll.u32 s7, $0x1;
	s7 =	sadd.s32 s22, s5  }
0x9f: {  	[timem:s9], [sflag:s23] =	dma.local [hbm:s7], s21  }
0xa0: {  	_ =	swait.ge [sflag:s23], s21  }
0xa1: {  	s6 =	ssub.s32 $0x0, s21;
	[sflag:s23] =	ssyncset.done $0x0  }
0xa2: {  	[sflag:s23] =	ssyncadd.s32 s6;
	_ =	sdelay $0x1  }
0xa3: {  	s24 =	simm.s32 $0x1B8B  }
0xa4: {  	_ =	swait.ge [sflag:s24], $0x1  }
0xa5: {  	[sflag:s24] =	ssyncset.done $0x0  }
0xa6: {  	s25 =	simm.s32 $0x1B8E;
	[sflag:s24] =	ssyncadd.s32 $0xFFFFFFFF  }
0xa7: {  	s26 =	simm.s32 $execute0_lowered;
	[smem:$0x3FD2] =	sst s25  }
0xa8: {  	s6 =	sshll.u32 s26, $0x1;
	_ =	strace $0x80000046;
	[dreg:$0x1] =	wrdreg $0xFFFFFFFF  }
0xa9: {  	s28 =	simm.s32 $_size_execute0_lowered;
	s5 =	sadd.s32 s5, s6;
	[dreg:$0x0] =	wrdreg $0x0  }
0xaa: {  	s6 =	sshll.u32 s28, $0x1;
	[dreg:$0x2] =	wrdreg s5  }
0xab: {  	[dreg:$0x3] =	wrdreg s6  }
0xac: {  	[dreg:$0x4] =	wrdreg $0xC0  }
0xad: {  	_ =	task [dreg:s9], $0x5FFFF  }
0xae: {  	[dreg:$0x1] =	wrdreg $0xFFFFFFFF  }
0xaf: {  	[dreg:$0x0] =	wrdreg $0x60  }
0xb0: {  	[dreg:$0x2] =	wrdreg s2  }
0xb1: {  	[dreg:$0x3] =	wrdreg s19  }
0xb2: {  	[dreg:$0x4] =	wrdreg s4  }
0xb3: {  	[dreg:$0x5] =	wrdreg $0x9  }
0xb4: {  	_ =	task.clear_ibuf [dreg:s9], $0x6FFFF;
	_ =	strace $0x90000046  }
0xb5: {  	s29 =	simm.s32 $0x9;
	_ =	strace $0x80000048  }
0xb6: {  	_ =	swait.ge [sflag:s29], $0x1  }
0xb7: {  	[sflag:s29] =	ssyncadd.s32 $0xFFFFFFFF  }
0xb8: {  	_ =	strace $0x90000048  }
0xb9: {  	_ =	sfence  }
0xba: {  	s30 =	sld [smem:$0x0];
	_ =	sdelay $0x2  }
0xbb: {  	s31 =	sshll.u32 s1, $0xD;
	s1 =	sshrl.u32 s1, $0x2  }
0xbc: {  	s3 =	sand.u32 $0x4000, s31;
	s1 =	sadd.s32 s1, s30  }
0xbd: {  	s0 =	sor.u32 s3, s0;
	s1 =	sshll.u32 s1, $0x11  }
0xbe: {  	s0 =	sor.u32 s1, s0  }
0xbf: {  	s0 =	sadd.s32 $0x8F2B, s0  }
0xc0: {  	[sflag:s0] =	ssyncadd.remote.s32 $0x1  }
0xc1: {  	_ =	sfence.sel $0xFFFF  }
0xc2: {  	[dreg:$0x0] =	wrdreg $0xFFFFFFFF;
	(pc) =	sbr.abs _section_cstart, $3  }
0xc3: {  	[dreg:$0x1] =	wrdreg $0xFFFFFFFF  }
0xc4: {  	_ =	task.clear_ibuf [dreg:s9], $0x2FFFF;
	_ =	strace $0x9FFFFFFF  }
0xc5: {  	(tm) =	ssettm $0x7FFFFFFF  }
tec
execute0_lowered:
.L_overlay_start_1:
0x0: {  	(tag) =	ssettag $0x1  }
0x1: {  	s0 =	srdreg.scid;
	s1 =	rddreg [dreg:$0x0]  }
0x2: {  	s2 =	stileid.u32;
	s4 =	rddreg [dreg:$0x2];
	s6 =	simm.s32 $0x0  }
0x3: {  	s14 =	simm.s32 $0x18000;
	s15 =	simm.s32 $0x7;
	s17 =	simm.s32 $0x8000  }
0x4: {  	s18 =	simm.s32 $0x1;
	s19 =	simm.s32 $0xC000;
	s20 =	simm.s32 $0x2  }
0x5: {  	s21 =	simm.s32 $0x10000;
	s22 =	simm.s32 $0x3;
	s23 =	simm.s32 $0x14000  }
0x6: {  	s24 =	simm.s32 $0x4;
	s0 =	sand.u32 $0x1, s0;
	s2 =	sshll.u32 s2, $0x1  }
0x7: {  	s25 =	simm.s32 $0x5;
	s26 =	simm.s32 $0x6;
	s2 =	sor.u32 s0, s2  }
0x8: {  	[smem:$0x7FF] =	sst s6;
	s0 =	ssub.s32 $0x2, s0;
	s5 =	smul.u32 $0x180000, s2  }
0x9: {  	s28 =	simm.s32 $0x0;
	_ =	strace $0x80000047;
	s3 =	sshrl.u32 s0, $0x1  }
0xa: {  	s0 =	ssub.s32 s0, s3;
	s2 =	sshrl.u32 s5, $0x3;
	s10 =	sor.u32 $0xC000, s5  }
0xb: {  	s11 =	sor.u32 $0x10000, s5;
	s12 =	sor.u32 $0x14000, s5;
	s7 =	sadd.s32 s1, s2  }
0xc: {  	s13 =	smax.u32 s0, $0x1;
	s8 =	sadd.s32 $0x800, s7;
	s9 =	sadd.s32 $0x1000, s7  }
.LBB2_1:
0xd: {  	s0 =	rddreg [dreg:$0x1]  }
0xe: {  	[tilespmem:s14], [sflag:$0x7] =	stream.linear.gather [hbm4b:s0+s6], $0x300, $0x38;
	[tilespmem:$0x18300] =	vst v63  }
0xf: {  	_ =	swait.ge [sflag:s15], $0x300  }
0x10: {  	[sflag:s15] =	ssyncset.done $0x0  }
0x11: {  	[sflag:s15] =	ssyncadd.s32 $0xFFFFFD00  }
0x12: {  	[tilespmem:s6], [sflag:$0x1] =	stream.linear.gather [hbm4b:s7+s6], $0x4000, $0x38;
	[tilespmem:$0x18300] =	vst v63  }
0x13: {  	s31 =	simm.s32 $0x4000  }
0x14: {  	[tilespmem:s31], [sflag:$0x2] =	stream.linear.gather [hbm4b:s8+s6], $0x4000, $0x38;
	[tilespmem:$0x18300] =	vst v63  }
0x15: {  	s30 =	simm.s32 $0x0  }
0x16: {  	[tilespmem:s17], [sflag:$0x3] =	stream.linear.gather [hbm4b:s9+s6], $0x4000, $0x38;
	[tilespmem:$0x18300] =	vst v63  }
.LBB2_2:
0x17: {  	_ =	swait.ge [sflag:s18], $0x4000  }
0x18: {  	p0 =	seq.s32 s30, $0x0;
	[sflag:s18] =	ssyncset.done $0x0  }
0x19: {  	s0 =	simm.s32 @!p0 $0x4;
	[sflag:s18] =	ssyncadd.s32 $0xFFFFC000  }
0x1a: {  	_ =	swait.ge @!p0 [sflag:s0], $0x4000  }
0x1b: {  	s2 =	smul.u32 $0x30, s30;
	[sflag:s0] =	ssyncset.done @!p0 $0x0  }
0x1c: {  	s16 =	simm.s32 $0x40;
	[sflag:s0] =	ssyncadd.s32 @!p0 $0xFFFFC000  }
0x1d: {  	s0 =	sand.u32 $0x700, s2;
	v0 =	vld [tilespmem:s16+$0x30]  }
0x1e: {  	p1 =	slt.u32 s30, $0x10;
	s3 =	sadd.s32 $0xFFFFFD00, s0;
	v1 =	vld [tilespmem:s16+$0xFFFFFFD0]  }
0x1f: {  	v3 =	vld [tilespmem:s16+$0xFFFFFFE0];
	s3 =	smov.u32 @p1 s0  }
0x20: {  	v4 =	vld [tilespmem:s16+$0xFFFFFFF0];
	s0 =	scvt.s32.f32 s3  }
0x21: {  	v5 =	vld [tilespmem:s16+$0xFFFFFFC0]  }
0x22: {  	v6 =	vld [tilespmem:s16+$0x0];
	s0 =	sadd.f32 $5.000000000e-01, s0  }
0x23: {  	v7 =	vld [tilespmem:s16+$0x10];
	v2 =	vmul.f32 $2.550000000e+02, v0  }
0x24: {  	v8 =	vld [tilespmem:s16+$0x20];
	v0 =	vmov s0  }
0x25: {  	v1 =	vmul.f32 $2.550000000e+02, v1;
	v2 =	vadd.f32 v2, v0  }
0x26: {  	v3 =	vmul.f32 $2.550000000e+02, v3;
	v5 =	vmul.f32 $2.550000000e+02, v5  }
0x27: {  	v4 =	vmul.f32 $2.550000000e+02, v4;
	v2 =	vtrunc.f32 v2  }
0x28: {  	v6 =	vmul.f32 $2.550000000e+02, v6;
	v5 =	vadd.f32 v5, v0;
	v2 =	vcvt.f32.s32 v2  }
0x29: {  	s16 =	simm.s32 $0xC0;
	v7 =	vmul.f32 $2.550000000e+02, v7;
	v8 =	vmul.f32 $2.550000000e+02, v8  }
0x2a: {  	v9 =	vld [tilespmem:s16+$0x30];
	v1 =	vadd.f32 v1, v0;
	v3 =	vadd.f32 v3, v0;
	v5 =	vtrunc.f32 v5  }
0x2b: {  	v10 =	vld [tilespmem:s16+$0xFFFFFFE0];
	v4 =	vadd.f32 v4, v0;
	v6 =	vadd.f32 v6, v0;
	v5 =	vcvt.f32.s32 v5  }
0x2c: {  	v13 =	vld [tilespmem:s16+$0x0];
	v8 =	vadd.f32 v8, v0;
	v1 =	vtrunc.f32 v1;
	v3 =	vtrunc.f32 v3  }
0x2d: {  	v15 =	vld [tilespmem:s16+$0x10];
	v4 =	vtrunc.f32 v4;
	v6 =	vtrunc.f32 v6  }
0x2e: {  	v8 =	vtrunc.f32 v8;
	v1 =	vcvt.f32.s32 v1;
	v11 =	vld.idx.msk [tilespmem:v2+s14+$0x0], $0xffff  }
0x2f: {  	v3 =	vcvt.f32.s32 v3;
	v14 =	vcvt.f32.s32 v4;
	v2 =	vadd.f32 v7, v0;
	v7 =	vld [tilespmem:s16+$0xFFFFFFD0]  }
0x30: {  	v12 =	vld [tilespmem:s16+$0xFFFFFFF0];
	v4 =	vmul.f32 $2.550000000e+02, v9;
	v6 =	vcvt.f32.s32 v6  }
0x31: {  	v8 =	vcvt.f32.s32 v8;
	v18 =	vld.idx.msk [tilespmem:v5+s14+$0x0], $0xffff;
	v5 =	vmul.f32 $2.550000000e+02, v13  }
0x32: {  	v9 =	vld [tilespmem:s16+$0x20];
	v13 =	vmul.f32 $2.550000000e+02, v15;
	v2 =	vtrunc.f32 v2  }
0x33: {  	v17 =	vld [tilespmem:s16+$0xFFFFFFC0];
	v4 =	vadd.f32 v4, v0;
	v16 =	vcvt.f32.s32 v2;
	v2 =	vmul.f32 $2.550000000e+02, v10  }
0x34: {  	v63 =	vadd.f32 v13, v0;
	v7 =	vmul.f32 $2.550000000e+02, v7  }
0x35: {  	v3 =	vld.idx.msk [tilespmem:v3+s14+$0x0], $0xffff;
	v10 =	vmul.f32 $2.550000000e+02, v12;
	v12 =	vadd.f32 v2, v0;
	v2 =	vtrunc.f32 v4  }
0x36: {  	s0 =	simm.s32 $0xC040;
	v4 =	vld.idx.msk [tilespmem:v1+s14+$0x0], $0xffff;
	v2 =	vcvt.f32.s32 v2;
	v7 =	vadd.f32 v7, v0  }
0x37: {  	v19 =	vmul.f32 $2.550000000e+02, v9;
	v6 =	vld.idx.msk [tilespmem:v6+s14+$0x0], $0xffff;
	v1 =	vadd.f32 v10, v0;
	[tilespmem:s0+$0x30] =	vst v11;
	v11 =	vtrunc.f32 v63  }
0x38: {  	s29 =	smul.u32 $0xC000, s30;
	v15 =	vtrunc.f32 v7;
	v7 =	vadd.f32 v5, v0;
	v5 =	vld.idx.msk [tilespmem:v14+s14+$0x0], $0xffff;
	v14 =	vmul.f32 $2.550000000e+02, v17  }
0x39: {  	s31 =	smul.u32 $0x3, s30;
	v8 =	vld.idx.msk [tilespmem:v8+s14+$0x0], $0xffff;
	v13 =	vadd.f32 v19, v0;
	v10 =	vtrunc.f32 v12;
	v12 =	vtrunc.f32 v1  }
0x3a: {  	s2 =	sadd.s32 s5, s29;
	s3 =	simm.s32 $0x80;
	s16 =	simm.s32 $0x140;
	[tilespmem:s0+$0xFFFFFFC0] =	vst v18;
	v1 =	vcvt.f32.s32 v15;
	v9 =	vtrunc.f32 v7;
	v7 =	vld.idx.msk [tilespmem:v16+s14+$0x0], $0xffff;
	v14 =	vadd.f32 v14, v0  }
.LBB2_3:
0x3b: {  	v15 =	vld [tilespmem:s16+$0x30];
	v10 =	vcvt.f32.s32 v10;
	v13 =	vtrunc.f32 v13;
	[tilespmem:s0+$0xFFFFFFD0] =	vst v4  }
0x3c: {  	s3 =	sadd.s32 $0x80, s3;
	v12 =	vcvt.f32.s32 v12;
	v4 =	vtrunc.f32 v14;
	v2 =	vld.idx.msk [tilespmem:v2+s14+$0x0], $0xffff;
	[tilespmem:s0+$0xFFFFFFE0] =	vst v3  }
0x3d: {  	v9 =	vcvt.f32.s32 v9;
	p1 =	slt.u32 s3, $0x3F80;
	v3 =	vld [tilespmem:s16+$0xFFFFFFD0];
	v4 =	vcvt.f32.s32 v4;
	[tilespmem:s0+$0xFFFFFFF0] =	vst v5  }
0x3e: {  	v11 =	vcvt.f32.s32 v11;
	v16 =	vcvt.f32.s32 v13;
	v5 =	vld [tilespmem:s16+$0xFFFFFFE0];
	[tilespmem:s0+$0x0] =	vst v6  }
0x3f: {  	v6 =	vld [tilespmem:s16+$0xFFFFFFF0];
	[tilespmem:s0+$0x10] =	vst v7  }
0x40: {  	v7 =	vld [tilespmem:s16+$0x0];
	[tilespmem:s0+$0x20] =	vst v8  }
0x41: {  	v13 =	vmul.f32 $2.550000000e+02, v15;
	s0 =	sadd.s32 $0x80, s0;
	v8 =	vld [tilespmem:s16+$0x10]  }
0x42: {  	v3 =	vmul.f32 $2.550000000e+02, v3;
	v14 =	vld [tilespmem:s16+$0x20];
	[tilespmem:s0+$0x30] =	vst v2  }
0x43: {  	v15 =	vld [tilespmem:s16+$0xFFFFFFC0];
	v2 =	vmul.f32 $2.550000000e+02, v5;
	v5 =	vadd.f32 v13, v0  }
0x44: {  	v13 =	vadd.f32 v3, v0;
	v3 =	vmul.f32 $2.550000000e+02, v6;
	v17 =	vld.idx.msk [tilespmem:v4+s14+$0x0], $0xffff  }
0x45: {  	v6 =	vadd.f32 v2, v0;
	v7 =	vmul.f32 $2.550000000e+02, v7;
	v2 =	vtrunc.f32 v5;
	v4 =	vld.idx.msk [tilespmem:v1+s14+$0x0], $0xffff  }
.Ltmp0:
0x46: {  	v1 =	vadd.f32 v3, v0;
	v8 =	vmul.f32 $2.550000000e+02, v8;
	v2 =	vcvt.f32.s32 v2;
	v3 =	vld.idx.msk [tilespmem:v10+s14+$0x0], $0xffff;
	(pc) =	sbr.rel @p1 .LBB2_3-.Ltmp0, $4  }
0x47: {  	v18 =	vtrunc.f32 v13;
	v7 =	vadd.f32 v7, v0;
	v13 =	vmul.f32 $2.550000000e+02, v14;
	v5 =	vld.idx.msk [tilespmem:v12+s14+$0x0], $0xffff  }
0x48: {  	v10 =	vtrunc.f32 v6;
	v14 =	vmul.f32 $2.550000000e+02, v15;
	v8 =	vadd.f32 v8, v0;
	v6 =	vld.idx.msk [tilespmem:v9+s14+$0x0], $0xffff  }
0x49: {  	v12 =	vtrunc.f32 v1;
	v9 =	vtrunc.f32 v7;
	v13 =	vadd.f32 v13, v0;
	v7 =	vld.idx.msk [tilespmem:v11+s14+$0x0], $0xffff  }
0x4a: {  	s16 =	sadd.s32 $0x80, s16;
	v1 =	vcvt.f32.s32 v18;
	v14 =	vadd.f32 v14, v0;
	v11 =	vtrunc.f32 v8;
	[tilespmem:s0+$0xFFFFFFC0] =	vst v17;
	v8 =	vld.idx.msk [tilespmem:v16+s14+$0x0], $0xffff  }
0x4b: {  	_ = 	snop  }
0x4c: {  	v0 =	vtrunc.f32 v14  }
0x4d: {  	v0 =	vcvt.f32.s32 v0  }
0x4e: {  	v10 =	vcvt.f32.s32 v10  }
0x4f: {  	v12 =	vcvt.f32.s32 v12  }
0x50: {  	[tilespmem:s0+$0xFFFFFFD0] =	vst v4;
	v4 =	vcvt.f32.s32 v9  }
0x51: {  	v9 =	vtrunc.f32 v13;
	v2 =	vld.idx.msk [tilespmem:v2+s14+$0x0], $0xffff;
	[tilespmem:s0+$0xFFFFFFE0] =	vst v3;
	v3 =	vcvt.f32.s32 v11  }
0x52: {  	[tilespmem:s0+$0xFFFFFFF0] =	vst v5;
	v5 =	vcvt.f32.s32 v9;
	v1 =	vld.idx.msk [tilespmem:v1+s14+$0x0], $0xffff  }
0x53: {  	[tilespmem:s0+$0x0] =	vst v6;
	v0 =	vld.idx.msk [tilespmem:v0+s14+$0x0], $0xffff  }
0x54: {  	[tilespmem:s0+$0x10] =	vst v7;
	v6 =	vld.idx.msk [tilespmem:v10+s14+$0x0], $0xffff  }
0x55: {  	s16 =	sadd.s32 $0x80, s0;
	[tilespmem:s0+$0x20] =	vst v8;
	v7 =	vld.idx.msk [tilespmem:v12+s14+$0x0], $0xffff  }
0x56: {  	[tilespmem:s16+$0x30] =	vst v2;
	v2 =	vld.idx.msk [tilespmem:v4+s14+$0x0], $0xffff  }
0x57: {  	v3 =	vld.idx.msk [tilespmem:v3+s14+$0x0], $0xffff;
	[tilespmem:s16+$0xFFFFFFD0] =	vst v1  }
0x58: {  	[tilespmem:s16+$0xFFFFFFC0] =	vst v0;
	v0 =	vld.idx.msk [tilespmem:v5+s14+$0x0], $0xffff  }
0x59: {  	[tilespmem:s16+$0xFFFFFFE0] =	vst v6  }
0x5a: {  	[tilespmem:s16+$0xFFFFFFF0] =	vst v7  }
0x5b: {  	p1 =	seq.s32 s30, $0x1F;
	[tilespmem:s16+$0x0] =	vst v2  }
0x5c: {  	s2 =	sshrl.u32 s2, $0x3;
	s0 =	sadd.s32 @!p1 s29, s10;
	[tilespmem:s16+$0x10] =	vst v3  }
0x5d: {  	s3 =	sadd.s32 s4, s2;
	s0 =	sshrl.u32 @!p1 s0, $0x3;
	[tilespmem:s16+$0x20] =	vst v0  }
0x5e: {  	[hbm4b:s3+s6] =	stream.linear.scatter [tilespmem:s19], [sflag:$0x4], $0x4000, $0x38;
	[tilespmem:$0x18300] =	vst v63  }
0x5f: {  	s2 =	simm.s32 @!p1 $0x0;
	s0 =	sadd.s32 @!p1 s1, s0  }
0x60: {  	[tilespmem:s2], [sflag:$0x1] =	stream.linear.gather @!p1 [hbm4b:s0+s2], $0x4000, $0x38;
	[tilespmem:$0x18300] =	vst v63  }
0x61: {  	_ =	swait.ge [sflag:s20], $0x4000  }
0x62: {  	s2 =	sadd.s32 $0x1, s31;
	[sflag:s20] =	ssyncset.done $0x0  }
0x63: {  	s3 =	simm.s32 @!p0 $0x5;
	s0 =	sshrl.u32 s2, $0x4;
	[sflag:s20] =	ssyncadd.s32 $0xFFFFC000  }
0x64: {  	s16 =	smulhi.u32 $0x55555556, s0;
	_ =	swait.ge @!p0 [sflag:s3], $0x4000  }
0x65: {  	[sflag:s3] =	ssyncset.done @!p0 $0x0  }
0x66: {  	s16 =	smul.u32 $0x3, s16;
	[sflag:s3] =	ssyncadd.s32 @!p0 $0xFFFFC000;
	s3 =	simm.s32 $0x4040  }
0x67: {  	v0 =	vld [tilespmem:s3+$0x30]  }
0x68: {  	s0 =	ssub.s32 s0, s16;
	v1 =	vld [tilespmem:s3+$0xFFFFFFD0]  }
0x69: {  	s0 =	sshll.u32 s0, $0x8;
	v3 =	vld [tilespmem:s3+$0xFFFFFFE0]  }
0x6a: {  	v4 =	vld [tilespmem:s3+$0xFFFFFFF0];
	s0 =	scvt.s32.f32 s0  }
0x6b: {  	v5 =	vld [tilespmem:s3+$0xFFFFFFC0]  }
0x6c: {  	v6 =	vld [tilespmem:s3+$0x0];
	s0 =	sadd.f32 $5.000000000e-01, s0  }
0x6d: {  	v7 =	vld [tilespmem:s3+$0x10];
	v2 =	vmul.f32 $2.550000000e+02, v0  }
0x6e: {  	v8 =	vld [tilespmem:s3+$0x20];
	v0 =	vmov s0  }
0x6f: {  	v1 =	vmul.f32 $2.550000000e+02, v1;
	v2 =	vadd.f32 v2, v0  }
0x70: {  	v3 =	vmul.f32 $2.550000000e+02, v3;
	v5 =	vmul.f32 $2.550000000e+02, v5  }
0x71: {  	v4 =	vmul.f32 $2.550000000e+02, v4;
	v2 =	vtrunc.f32 v2  }
0x72: {  	v6 =	vmul.f32 $2.550000000e+02, v6;
	v5 =	vadd.f32 v5, v0;
	v2 =	vcvt.f32.s32 v2  }
0x73: {  	s16 =	simm.s32 $0x40C0;
	v7 =	vmul.f32 $2.550000000e+02, v7;
	v8 =	vmul.f32 $2.550000000e+02, v8  }
0x74: {  	v9 =	vld [tilespmem:s16+$0x30];
	v1 =	vadd.f32 v1, v0;
	v3 =	vadd.f32 v3, v0;
	v5 =	vtrunc.f32 v5  }
0x75: {  	v10 =	vld [tilespmem:s16+$0xFFFFFFE0];
	v4 =	vadd.f32 v4, v0;
	v6 =	vadd.f32 v6, v0;
	v5 =	vcvt.f32.s32 v5  }
0x76: {  	v13 =	vld [tilespmem:s16+$0x0];
	v8 =	vadd.f32 v8, v0;
	v1 =	vtrunc.f32 v1;
	v3 =	vtrunc.f32 v3  }
0x77: {  	v15 =	vld [tilespmem:s16+$0x10];
	v4 =	vtrunc.f32 v4;
	v6 =	vtrunc.f32 v6  }
0x78: {  	v8 =	vtrunc.f32 v8;
	v1 =	vcvt.f32.s32 v1;
	v11 =	vld.idx.msk [tilespmem:v2+s14+$0x0], $0xffff  }
0x79: {  	v3 =	vcvt.f32.s32 v3;
	v14 =	vcvt.f32.s32 v4;
	v2 =	vadd.f32 v7, v0;
	v7 =	vld [tilespmem:s16+$0xFFFFFFD0]  }
0x7a: {  	v12 =	vld [tilespmem:s16+$0xFFFFFFF0];
	v4 =	vmul.f32 $2.550000000e+02, v9;
	v6 =	vcvt.f32.s32 v6  }
0x7b: {  	v8 =	vcvt.f32.s32 v8;
	v18 =	vld.idx.msk [tilespmem:v5+s14+$0x0], $0xffff;
	v5 =	vmul.f32 $2.550000000e+02, v13  }
0x7c: {  	v9 =	vld [tilespmem:s16+$0x20];
	v13 =	vmul.f32 $2.550000000e+02, v15;
	v2 =	vtrunc.f32 v2  }
0x7d: {  	v17 =	vld [tilespmem:s16+$0xFFFFFFC0];
	v4 =	vadd.f32 v4, v0;
	v16 =	vcvt.f32.s32 v2;
	v2 =	vmul.f32 $2.550000000e+02, v10  }
0x7e: {  	v63 =	vadd.f32 v13, v0;
	v7 =	vmul.f32 $2.550000000e+02, v7  }
0x7f: {  	v3 =	vld.idx.msk [tilespmem:v3+s14+$0x0], $0xffff;
	v10 =	vmul.f32 $2.550000000e+02, v12;
	v12 =	vadd.f32 v2, v0;
	v2 =	vtrunc.f32 v4  }
0x80: {  	s0 =	simm.s32 $0x10040;
	v4 =	vld.idx.msk [tilespmem:v1+s14+$0x0], $0xffff;
	v2 =	vcvt.f32.s32 v2;
	v7 =	vadd.f32 v7, v0  }
0x81: {  	v19 =	vmul.f32 $2.550000000e+02, v9;
	v6 =	vld.idx.msk [tilespmem:v6+s14+$0x0], $0xffff;
	v1 =	vadd.f32 v10, v0;
	[tilespmem:s0+$0x30] =	vst v11;
	v11 =	vtrunc.f32 v63  }
0x82: {  	v15 =	vtrunc.f32 v7;
	v7 =	vadd.f32 v5, v0;
	v5 =	vld.idx.msk [tilespmem:v14+s14+$0x0], $0xffff;
	v14 =	vmul.f32 $2.550000000e+02, v17  }
0x83: {  	s30 =	sadd.s32 $0x1, s30;
	s2 =	sshll.u32 s2, $0xE;
	v8 =	vld.idx.msk [tilespmem:v8+s14+$0x0], $0xffff;
	v13 =	vadd.f32 v19, v0;
	v10 =	vtrunc.f32 v12;
	v12 =	vtrunc.f32 v1  }
0x84: {  	s2 =	sadd.s32 s5, s2;
	s3 =	simm.s32 $0x80;
	s16 =	simm.s32 $0x4140;
	[tilespmem:s0+$0xFFFFFFC0] =	vst v18;
	v1 =	vcvt.f32.s32 v15;
	v9 =	vtrunc.f32 v7;
	v7 =	vld.idx.msk [tilespmem:v16+s14+$0x0], $0xffff;
	v14 =	vadd.f32 v14, v0  }
.LBB2_5:
0x85: {  	v15 =	vld [tilespmem:s16+$0x30];
	v10 =	vcvt.f32.s32 v10;
	v13 =	vtrunc.f32 v13;
	[tilespmem:s0+$0xFFFFFFD0] =	vst v4  }
0x86: {  	s3 =	sadd.s32 $0x80, s3;
	v12 =	vcvt.f32.s32 v12;
	v4 =	vtrunc.f32 v14;
	v2 =	vld.idx.msk [tilespmem:v2+s14+$0x0], $0xffff;
	[tilespmem:s0+$0xFFFFFFE0] =	vst v3  }
0x87: {  	v9 =	vcvt.f32.s32 v9;
	p2 =	slt.u32 s3, $0x3F80;
	v3 =	vld [tilespmem:s16+$0xFFFFFFD0];
	v4 =	vcvt.f32.s32 v4;
	[tilespmem:s0+$0xFFFFFFF0] =	vst v5  }
0x88: {  	v11 =	vcvt.f32.s32 v11;
	v16 =	vcvt.f32.s32 v13;
	v5 =	vld [tilespmem:s16+$0xFFFFFFE0];
	[tilespmem:s0+$0x0] =	vst v6  }
0x89: {  	v6 =	vld [tilespmem:s16+$0xFFFFFFF0];
	[tilespmem:s0+$0x10] =	vst v7  }
0x8a: {  	v7 =	vld [tilespmem:s16+$0x0];
	[tilespmem:s0+$0x20] =	vst v8  }
0x8b: {  	v13 =	vmul.f32 $2.550000000e+02, v15;
	s0 =	sadd.s32 $0x80, s0;
	v8 =	vld [tilespmem:s16+$0x10]  }
0x8c: {  	v3 =	vmul.f32 $2.550000000e+02, v3;
	v14 =	vld [tilespmem:s16+$0x20];
	[tilespmem:s0+$0x30] =	vst v2  }
0x8d: {  	v15 =	vld [tilespmem:s16+$0xFFFFFFC0];
	v2 =	vmul.f32 $2.550000000e+02, v5;
	v5 =	vadd.f32 v13, v0  }
0x8e: {  	v13 =	vadd.f32 v3, v0;
	v3 =	vmul.f32 $2.550000000e+02, v6;
	v17 =	vld.idx.msk [tilespmem:v4+s14+$0x0], $0xffff  }
0x8f: {  	v6 =	vadd.f32 v2, v0;
	v7 =	vmul.f32 $2.550000000e+02, v7;
	v2 =	vtrunc.f32 v5;
	v4 =	vld.idx.msk [tilespmem:v1+s14+$0x0], $0xffff  }
.Ltmp1:
0x90: {  	v1 =	vadd.f32 v3, v0;
	v8 =	vmul.f32 $2.550000000e+02, v8;
	v2 =	vcvt.f32.s32 v2;
	v3 =	vld.idx.msk [tilespmem:v10+s14+$0x0], $0xffff;
	(pc) =	sbr.rel @p2 .LBB2_5-.Ltmp1, $4  }
0x91: {  	v18 =	vtrunc.f32 v13;
	v7 =	vadd.f32 v7, v0;
	v13 =	vmul.f32 $2.550000000e+02, v14;
	v5 =	vld.idx.msk [tilespmem:v12+s14+$0x0], $0xffff  }
0x92: {  	v10 =	vtrunc.f32 v6;
	v14 =	vmul.f32 $2.550000000e+02, v15;
	v8 =	vadd.f32 v8, v0;
	v6 =	vld.idx.msk [tilespmem:v9+s14+$0x0], $0xffff  }
0x93: {  	v12 =	vtrunc.f32 v1;
	v9 =	vtrunc.f32 v7;
	v13 =	vadd.f32 v13, v0;
	v7 =	vld.idx.msk [tilespmem:v11+s14+$0x0], $0xffff  }
0x94: {  	s16 =	sadd.s32 $0x80, s16;
	v1 =	vcvt.f32.s32 v18;
	v14 =	vadd.f32 v14, v0;
	v11 =	vtrunc.f32 v8;
	[tilespmem:s0+$0xFFFFFFC0] =	vst v17;
	v8 =	vld.idx.msk [tilespmem:v16+s14+$0x0], $0xffff  }
0x95: {  	_ = 	snop  }
0x96: {  	v0 =	vtrunc.f32 v14  }
0x97: {  	v0 =	vcvt.f32.s32 v0  }
0x98: {  	v10 =	vcvt.f32.s32 v10  }
0x99: {  	v12 =	vcvt.f32.s32 v12  }
0x9a: {  	[tilespmem:s0+$0xFFFFFFD0] =	vst v4;
	v4 =	vcvt.f32.s32 v9  }
0x9b: {  	v9 =	vtrunc.f32 v13;
	v2 =	vld.idx.msk [tilespmem:v2+s14+$0x0], $0xffff;
	[tilespmem:s0+$0xFFFFFFE0] =	vst v3;
	v3 =	vcvt.f32.s32 v11  }
0x9c: {  	[tilespmem:s0+$0xFFFFFFF0] =	vst v5;
	v5 =	vcvt.f32.s32 v9;
	v1 =	vld.idx.msk [tilespmem:v1+s14+$0x0], $0xffff  }
0x9d: {  	[tilespmem:s0+$0x0] =	vst v6;
	v0 =	vld.idx.msk [tilespmem:v0+s14+$0x0], $0xffff  }
0x9e: {  	[tilespmem:s0+$0x10] =	vst v7;
	v6 =	vld.idx.msk [tilespmem:v10+s14+$0x0], $0xffff  }
0x9f: {  	s3 =	sadd.s32 $0x80, s0;
	[tilespmem:s0+$0x20] =	vst v8;
	v7 =	vld.idx.msk [tilespmem:v12+s14+$0x0], $0xffff  }
0xa0: {  	[tilespmem:s3+$0x30] =	vst v2;
	v2 =	vld.idx.msk [tilespmem:v4+s14+$0x0], $0xffff  }
0xa1: {  	v3 =	vld.idx.msk [tilespmem:v3+s14+$0x0], $0xffff;
	[tilespmem:s3+$0xFFFFFFD0] =	vst v1  }
0xa2: {  	[tilespmem:s3+$0xFFFFFFC0] =	vst v0;
	v0 =	vld.idx.msk [tilespmem:v5+s14+$0x0], $0xffff  }
0xa3: {  	[tilespmem:s3+$0xFFFFFFE0] =	vst v6  }
0xa4: {  	[tilespmem:s3+$0xFFFFFFF0] =	vst v7  }
0xa5: {  	[tilespmem:s3+$0x0] =	vst v2  }
0xa6: {  	s2 =	sshrl.u32 s2, $0x3;
	s0 =	sadd.s32 @!p1 s29, s11;
	[tilespmem:s3+$0x10] =	vst v3  }
0xa7: {  	s16 =	sadd.s32 s4, s2;
	s0 =	sshrl.u32 @!p1 s0, $0x3;
	[tilespmem:s3+$0x20] =	vst v0  }
0xa8: {  	[hbm4b:s16+s6] =	stream.linear.scatter [tilespmem:s21], [sflag:$0x5], $0x4000, $0x38;
	[tilespmem:$0x18300] =	vst v63  }
0xa9: {  	s2 =	simm.s32 @!p1 $0x0;
	s0 =	sadd.s32 @!p1 s1, s0;
	s3 =	simm.s32 @!p1 $0x4000  }
0xaa: {  	[tilespmem:s3], [sflag:$0x2] =	stream.linear.gather @!p1 [hbm4b:s0+s2], $0x4000, $0x38;
	[tilespmem:$0x18300] =	vst v63  }
0xab: {  	_ =	swait.ge [sflag:s22], $0x4000  }
0xac: {  	s2 =	sadd.s32 $0x2, s31;
	[sflag:s22] =	ssyncset.done $0x0  }
0xad: {  	s3 =	simm.s32 @!p0 $0x6;
	s0 =	sshrl.u32 s2, $0x4;
	[sflag:s22] =	ssyncadd.s32 $0xFFFFC000  }
0xae: {  	s16 =	smulhi.u32 $0x55555556, s0;
	_ =	swait.ge @!p0 [sflag:s3], $0x4000  }
0xaf: {  	[sflag:s3] =	ssyncset.done @!p0 $0x0  }
0xb0: {  	s31 =	simm.s32 $0x8040;
	s16 =	smul.u32 $0x3, s16;
	[sflag:s3] =	ssyncadd.s32 @!p0 $0xFFFFC000  }
0xb1: {  	v0 =	vld [tilespmem:s31+$0x30]  }
0xb2: {  	s0 =	ssub.s32 s0, s16;
	v1 =	vld [tilespmem:s31+$0xFFFFFFD0]  }
0xb3: {  	s0 =	sshll.u32 s0, $0x8;
	v3 =	vld [tilespmem:s31+$0xFFFFFFE0]  }
0xb4: {  	v4 =	vld [tilespmem:s31+$0xFFFFFFF0];
	s0 =	scvt.s32.f32 s0  }
0xb5: {  	v5 =	vld [tilespmem:s31+$0xFFFFFFC0]  }
0xb6: {  	v6 =	vld [tilespmem:s31+$0x0];
	s0 =	sadd.f32 $5.000000000e-01, s0  }
0xb7: {  	v7 =	vld [tilespmem:s31+$0x10];
	v2 =	vmul.f32 $2.550000000e+02, v0  }
0xb8: {  	v8 =	vld [tilespmem:s31+$0x20];
	v0 =	vmov s0  }
0xb9: {  	v1 =	vmul.f32 $2.550000000e+02, v1;
	v2 =	vadd.f32 v2, v0  }
0xba: {  	v3 =	vmul.f32 $2.550000000e+02, v3;
	v5 =	vmul.f32 $2.550000000e+02, v5  }
0xbb: {  	v4 =	vmul.f32 $2.550000000e+02, v4;
	v2 =	vtrunc.f32 v2  }
0xbc: {  	v6 =	vmul.f32 $2.550000000e+02, v6;
	v5 =	vadd.f32 v5, v0;
	v2 =	vcvt.f32.s32 v2  }
0xbd: {  	s31 =	simm.s32 $0x80C0;
	v7 =	vmul.f32 $2.550000000e+02, v7;
	v8 =	vmul.f32 $2.550000000e+02, v8  }
0xbe: {  	v9 =	vld [tilespmem:s31+$0x30];
	v1 =	vadd.f32 v1, v0;
	v3 =	vadd.f32 v3, v0;
	v5 =	vtrunc.f32 v5  }
0xbf: {  	v10 =	vld [tilespmem:s31+$0xFFFFFFE0];
	v4 =	vadd.f32 v4, v0;
	v6 =	vadd.f32 v6, v0;
	v5 =	vcvt.f32.s32 v5  }
0xc0: {  	v13 =	vld [tilespmem:s31+$0x0];
	v8 =	vadd.f32 v8, v0;
	v1 =	vtrunc.f32 v1;
	v3 =	vtrunc.f32 v3  }
0xc1: {  	v15 =	vld [tilespmem:s31+$0x10];
	v4 =	vtrunc.f32 v4;
	v6 =	vtrunc.f32 v6  }
0xc2: {  	v8 =	vtrunc.f32 v8;
	v1 =	vcvt.f32.s32 v1;
	v11 =	vld.idx.msk [tilespmem:v2+s14+$0x0], $0xffff  }
0xc3: {  	v3 =	vcvt.f32.s32 v3;
	v14 =	vcvt.f32.s32 v4;
	v2 =	vadd.f32 v7, v0;
	v7 =	vld [tilespmem:s31+$0xFFFFFFD0]  }
0xc4: {  	v12 =	vld [tilespmem:s31+$0xFFFFFFF0];
	v4 =	vmul.f32 $2.550000000e+02, v9;
	v6 =	vcvt.f32.s32 v6  }
0xc5: {  	v8 =	vcvt.f32.s32 v8;
	v18 =	vld.idx.msk [tilespmem:v5+s14+$0x0], $0xffff;
	v5 =	vmul.f32 $2.550000000e+02, v13  }
0xc6: {  	v9 =	vld [tilespmem:s31+$0x20];
	v13 =	vmul.f32 $2.550000000e+02, v15;
	v2 =	vtrunc.f32 v2  }
0xc7: {  	v17 =	vld [tilespmem:s31+$0xFFFFFFC0];
	v4 =	vadd.f32 v4, v0;
	v16 =	vcvt.f32.s32 v2;
	v2 =	vmul.f32 $2.550000000e+02, v10  }
0xc8: {  	v63 =	vadd.f32 v13, v0;
	v7 =	vmul.f32 $2.550000000e+02, v7  }
0xc9: {  	v3 =	vld.idx.msk [tilespmem:v3+s14+$0x0], $0xffff;
	v10 =	vmul.f32 $2.550000000e+02, v12;
	v12 =	vadd.f32 v2, v0;
	v2 =	vtrunc.f32 v4  }
0xca: {  	s0 =	simm.s32 $0x14040;
	v4 =	vld.idx.msk [tilespmem:v1+s14+$0x0], $0xffff;
	v2 =	vcvt.f32.s32 v2;
	v7 =	vadd.f32 v7, v0  }
0xcb: {  	v19 =	vmul.f32 $2.550000000e+02, v9;
	v6 =	vld.idx.msk [tilespmem:v6+s14+$0x0], $0xffff;
	v1 =	vadd.f32 v10, v0;
	[tilespmem:s0+$0x30] =	vst v11;
	v11 =	vtrunc.f32 v63  }
0xcc: {  	v15 =	vtrunc.f32 v7;
	v7 =	vadd.f32 v5, v0;
	v5 =	vld.idx.msk [tilespmem:v14+s14+$0x0], $0xffff;
	v14 =	vmul.f32 $2.550000000e+02, v17  }
0xcd: {  	s2 =	sshll.u32 s2, $0xE;
	v8 =	vld.idx.msk [tilespmem:v8+s14+$0x0], $0xffff;
	v13 =	vadd.f32 v19, v0;
	v10 =	vtrunc.f32 v12;
	v12 =	vtrunc.f32 v1  }
0xce: {  	s2 =	sadd.s32 s5, s2;
	s3 =	simm.s32 $0x80;
	s16 =	simm.s32 $0x8140;
	[tilespmem:s0+$0xFFFFFFC0] =	vst v18;
	v1 =	vcvt.f32.s32 v15;
	v9 =	vtrunc.f32 v7;
	v7 =	vld.idx.msk [tilespmem:v16+s14+$0x0], $0xffff;
	v14 =	vadd.f32 v14, v0  }
.LBB2_7:
0xcf: {  	v15 =	vld [tilespmem:s16+$0x30];
	v10 =	vcvt.f32.s32 v10;
	v13 =	vtrunc.f32 v13;
	[tilespmem:s0+$0xFFFFFFD0] =	vst v4  }
0xd0: {  	s3 =	sadd.s32 $0x80, s3;
	v12 =	vcvt.f32.s32 v12;
	v4 =	vtrunc.f32 v14;
	v2 =	vld.idx.msk [tilespmem:v2+s14+$0x0], $0xffff;
	[tilespmem:s0+$0xFFFFFFE0] =	vst v3  }
0xd1: {  	v9 =	vcvt.f32.s32 v9;
	p0 =	slt.u32 s3, $0x3F80;
	v3 =	vld [tilespmem:s16+$0xFFFFFFD0];
	v4 =	vcvt.f32.s32 v4;
	[tilespmem:s0+$0xFFFFFFF0] =	vst v5  }
0xd2: {  	v11 =	vcvt.f32.s32 v11;
	v16 =	vcvt.f32.s32 v13;
	v5 =	vld [tilespmem:s16+$0xFFFFFFE0];
	[tilespmem:s0+$0x0] =	vst v6  }
0xd3: {  	v6 =	vld [tilespmem:s16+$0xFFFFFFF0];
	[tilespmem:s0+$0x10] =	vst v7  }
0xd4: {  	v7 =	vld [tilespmem:s16+$0x0];
	[tilespmem:s0+$0x20] =	vst v8  }
0xd5: {  	v13 =	vmul.f32 $2.550000000e+02, v15;
	s0 =	sadd.s32 $0x80, s0;
	v8 =	vld [tilespmem:s16+$0x10]  }
0xd6: {  	v3 =	vmul.f32 $2.550000000e+02, v3;
	v14 =	vld [tilespmem:s16+$0x20];
	[tilespmem:s0+$0x30] =	vst v2  }
0xd7: {  	v15 =	vld [tilespmem:s16+$0xFFFFFFC0];
	v2 =	vmul.f32 $2.550000000e+02, v5;
	v5 =	vadd.f32 v13, v0  }
0xd8: {  	v13 =	vadd.f32 v3, v0;
	v3 =	vmul.f32 $2.550000000e+02, v6;
	v17 =	vld.idx.msk [tilespmem:v4+s14+$0x0], $0xffff  }
0xd9: {  	v6 =	vadd.f32 v2, v0;
	v7 =	vmul.f32 $2.550000000e+02, v7;
	v2 =	vtrunc.f32 v5;
	v4 =	vld.idx.msk [tilespmem:v1+s14+$0x0], $0xffff  }
.Ltmp2:
0xda: {  	v1 =	vadd.f32 v3, v0;
	v8 =	vmul.f32 $2.550000000e+02, v8;
	v2 =	vcvt.f32.s32 v2;
	v3 =	vld.idx.msk [tilespmem:v10+s14+$0x0], $0xffff;
	(pc) =	sbr.rel @p0 .LBB2_7-.Ltmp2, $4  }
0xdb: {  	v18 =	vtrunc.f32 v13;
	v7 =	vadd.f32 v7, v0;
	v13 =	vmul.f32 $2.550000000e+02, v14;
	v5 =	vld.idx.msk [tilespmem:v12+s14+$0x0], $0xffff  }
0xdc: {  	v10 =	vtrunc.f32 v6;
	v14 =	vmul.f32 $2.550000000e+02, v15;
	v8 =	vadd.f32 v8, v0;
	v6 =	vld.idx.msk [tilespmem:v9+s14+$0x0], $0xffff  }
0xdd: {  	v12 =	vtrunc.f32 v1;
	v9 =	vtrunc.f32 v7;
	v13 =	vadd.f32 v13, v0;
	v7 =	vld.idx.msk [tilespmem:v11+s14+$0x0], $0xffff  }
0xde: {  	s16 =	sadd.s32 $0x80, s16;
	v1 =	vcvt.f32.s32 v18;
	v14 =	vadd.f32 v14, v0;
	v11 =	vtrunc.f32 v8;
	[tilespmem:s0+$0xFFFFFFC0] =	vst v17;
	v8 =	vld.idx.msk [tilespmem:v16+s14+$0x0], $0xffff  }
0xdf: {  	v10 =	vcvt.f32.s32 v10  }
0xe0: {  	v12 =	vcvt.f32.s32 v12  }
0xe1: {  	v56 =	vcvt.f32.s32 v9  }
0xe2: {  	[tilespmem:s0+$0xFFFFFFD0] =	vst v4;
	v57 =	vtrunc.f32 v13;
	v58 =	vcvt.f32.s32 v11  }
0xe3: {  	v2 =	vld.idx.msk [tilespmem:v2+s14+$0x0], $0xffff;
	[tilespmem:s0+$0xFFFFFFE0] =	vst v3;
	v0 =	vtrunc.f32 v14;
	v59 =	vcvt.f32.s32 v57  }
0xe4: {  	[tilespmem:s0+$0xFFFFFFF0] =	vst v5;
	v1 =	vld.idx.msk [tilespmem:v1+s14+$0x0], $0xffff;
	v0 =	vcvt.f32.s32 v0  }
0xe5: {  	[tilespmem:s0+$0x0] =	vst v6;
	v60 =	vld.idx.msk [tilespmem:v10+s14+$0x0], $0xffff  }
0xe6: {  	[tilespmem:s0+$0x10] =	vst v7;
	v61 =	vld.idx.msk [tilespmem:v12+s14+$0x0], $0xffff  }
0xe7: {  	s16 =	sadd.s32 $0x80, s0;
	[tilespmem:s0+$0x20] =	vst v8;
	v62 =	vld.idx.msk [tilespmem:v56+s14+$0x0], $0xffff  }
0xe8: {  	[tilespmem:s16+$0x30] =	vst v2;
	v3 =	vld.idx.msk [tilespmem:v58+s14+$0x0], $0xffff  }
0xe9: {  	[tilespmem:s16+$0xFFFFFFD0] =	vst v1;
	v63 =	vld.idx.msk [tilespmem:v59+s14+$0x0], $0xffff  }
0xea: {  	v0 =	vld.idx.msk [tilespmem:v0+s14+$0x0], $0xffff;
	[tilespmem:s16+$0xFFFFFFE0] =	vst v60  }
0xeb: {  	[tilespmem:s16+$0xFFFFFFF0] =	vst v61  }
0xec: {  	p0 =	sne.s32 @!p1 s30, $0x20;
	[tilespmem:s16+$0x0] =	vst v62  }
0xed: {  	p0 =	por p1, !p0;
	[tilespmem:s16+$0x10] =	vst v3  }
.Ltmp3:
0xee: {  	s2 =	sshrl.u32 s2, $0x3;
	s0 =	sadd.s32 @!p1 s29, s12;
	[tilespmem:s16+$0x20] =	vst v63;
	(pc) =	sbr.rel @!p0 .LBB2_2-.Ltmp3, $4  }
0xef: {  	s31 =	sadd.s32 s4, s2;
	s0 =	sshrl.u32 @!p1 s0, $0x3;
	[tilespmem:s16+$0xFFFFFFC0] =	vst v0  }
0xf0: {  	[hbm4b:s31+s6] =	stream.linear.scatter [tilespmem:s23], [sflag:$0x6], $0x4000, $0x38;
	[tilespmem:$0x18300] =	vst v63  }
0xf1: {  	s3 =	simm.s32 @!p1 $0x8000;
	s2 =	simm.s32 @!p1 $0x0;
	s0 =	sadd.s32 @!p1 s1, s0  }
0xf2: {  	[tilespmem:s3], [sflag:$0x3] =	stream.linear.gather @!p1 [hbm4b:s0+s2], $0x4000, $0x38;
	[tilespmem:$0x18300] =	vst v63  }
0xf3: {  	_ =	swait.ge [sflag:s24], $0x4000  }
0xf4: {  	[sflag:s24] =	ssyncset.done $0x0  }
0xf5: {  	s28 =	sadd.s32 $0x1, s28;
	[sflag:s24] =	ssyncadd.s32 $0xFFFFC000  }
0xf6: {  	p0 =	sne.s32 s28, s13;
	_ =	swait.ge [sflag:s25], $0x4000  }
.Ltmp4:
0xf7: {  	[sflag:s25] =	ssyncset.done $0x0;
	(pc) =	sbr.rel @p0 .LBB2_1-.Ltmp4, $4  }
0xf8: {  	[sflag:s25] =	ssyncadd.s32 $0xFFFFC000  }
0xf9: {  	_ =	swait.ge [sflag:s26], $0x4000  }
0xfa: {  	[sflag:s26] =	ssyncset.done $0x0  }
0xfb: {  	[sflag:s26] =	ssyncadd.s32 $0xFFFFC000  }
0xfc: {  	_ =	sfence.sel $0x180000  }
0xfd: {  	[bflag:$0x0] =	sbarrier.arrive $0xFFFF  }
0xfe: {  	_ =	strace $0x90000047  }
0xff: {  	s0 =	stileid.u32;
	[bflag:$0x2] =	sbarrier.arrive $0xFFFF  }
0x100: {  	p0 =	sne.s32 s0, $0x0;
	s0 =	rddreg [dreg:$0x3]  }
0x101: {  	s0 =	sadd.s32 @!p0 $0x100000, s0  }
0x102: {  	[sflag:s0] =	ssyncadd.tile.s32 @!p0 $0x1;
	_ =	shalt  }
.Lfunc_end2:
_tile_overlayer_lowered:
.L_overlay_start_2:
0x103: {  	(tag) =	ssettag $0x2  }
0x104: {  	s0 =	rddreg [dreg:$0x0];
	s2 =	stileid.u32  }
0x105: {  	s1 =	rddreg [dreg:$0x1];
	p0 =	sne.s32 s2, $0x0  }
0x106: {  	s3 =	rddreg [dreg:$0x2];
	[bflag:$0x3] =	sbarrier.arrive $0xFFFF;
	s2 =	simm.s32 @!p0 $0x1C07  }
0x107: {  	[timem:s3], [sflag:s2] =	dma.local @!p0 [hbm:s0], s1  }
0x108: {  	s0 =	simm.s32 @!p0 $0x7  }
0x109: {  	_ =	swait.ge @!p0 [sflag:s0], s1  }
0x10a: {  	s1 =	ssub.s32 @!p0 $0x0, s1;
	[sflag:s0] =	ssyncset.done @!p0 $0x0  }
0x10b: {  	[sflag:s0] =	ssyncadd.s32 @!p0 s1  }
0x10c: {  	[bflag:$0x3] =	sbarrier.arrive $0xFFFF  }
0x10d: {  	_ =	shalt  }

</sc_bundles>
